<compile_context>
chip_gen: v7x
topology: tpu7x:2x2x1
jax: 0.10.2.dev20260603
libtpu: 0.0.44.dev20260713+nightly
codegen_flags: <defaults>
</compile_context>

<pallas_src>
import functools

import jax
import jax.numpy as jnp
from jax import lax
from jax.experimental import pallas as pl
from jax.experimental.pallas import tpu as pltpu
from jax.experimental.pallas import tpu_sc as plsc

_info = plsc.get_sparse_core_info()
_NC = _info.num_cores
_NS = _info.num_subcores
_NW = _NC * _NS

_NBUF = 4
_N_CHUNKS = 16

_VBO = 2048


def _repack_body(x_ref, rep_ref):
    xT = jnp.transpose(x_ref[...], (1, 0))
    rep_ref[...] = jnp.concatenate(
        [xT[a * _VBO:(a + 1) * _VBO] for a in range(4)], axis=1)


@functools.lru_cache(maxsize=None)
def _make_repack(V):
    n_blocks = -(-V // (4 * _VBO))
    rep_rows = n_blocks * _VBO

    return pl.pallas_call(
        _repack_body,
        grid=(n_blocks,),
        in_specs=[pl.BlockSpec((32, 4 * _VBO), lambda j: (0, j))],
        out_specs=pl.BlockSpec((_VBO, 128), lambda j: (j, 0)),
        out_shape=jax.ShapeDtypeStruct((rep_rows, 128), jnp.float32),
    )


@functools.lru_cache(maxsize=None)
def _make_gather(V, D, B):
    assert B % _NW == 0
    b_per_w = B // _NW
    assert b_per_w % _N_CHUNKS == 0
    chunk = b_per_w // _N_CHUNKS
    assert chunk % 8 == 0 and b_per_w % 16 == 0
    mesh = plsc.VectorSubcoreMesh(core_axis_name="c", subcore_axis_name="s")

    @functools.partial(
        pl.kernel,
        mesh=mesh,
        out_type=jax.ShapeDtypeStruct((B, 128), jnp.float32),
        scratch_types=[
            pltpu.VMEM((b_per_w,), jnp.int32),
            [pltpu.VMEM((chunk, D), jnp.float32) for _ in range(_NBUF)],
            [pltpu.SemaphoreType.DMA for _ in range(_NBUF)],
            [pltpu.SemaphoreType.DMA for _ in range(_NBUF)],
        ],
        compiler_params=pltpu.CompilerParams(use_tc_tiling_on_sc=False),
    )
    def gather_kernel(table_hbm, idx_hbm, out_hbm, idx_v, bufs, sgs, sws):
        wid = lax.axis_index("s") * _NC + lax.axis_index("c")
        base = wid * b_per_w

        pltpu.sync_copy(idx_hbm.at[pl.ds(base, b_per_w)], idx_v)

        gathers = {}
        writes = {}

        def start_gather(c):
            b = c % _NBUF
            gathers[c] = pltpu.async_copy(
                table_hbm.at[idx_v.at[pl.ds(c * chunk, chunk)]], bufs[b],
                sgs[b])

        def start_write(c):
            b = c % _NBUF
            writes[c] = pltpu.async_copy(
                bufs[b],
                out_hbm.at[pl.ds(base + c * chunk, chunk), pl.ds(0, D)],
                sws[b])

        for c in range(_NBUF):
            start_gather(c)
        for c in range(_N_CHUNKS):
            gathers[c].wait()
            start_write(c)
            if c + _NBUF < _N_CHUNKS:
                writes[c].wait()
                start_gather(c + _NBUF)
        for c in range(_N_CHUNKS - _NBUF, _N_CHUNKS):
            writes[c].wait()

    return gather_kernel


def kernel(cat_idx, table):
    batch, fields = cat_idx.shape
    V, D = table.shape
    B = batch * fields
    idx_flat = cat_idx.T.reshape(B).astype(jnp.int32)
    s1 = _VBO.bit_length() - 1
    s2 = s1 + 2
    idx_perm = ((((idx_flat >> s2) << s1) | (idx_flat & (_VBO - 1))) << 2) | (
        (idx_flat >> s1) & 3)
    t32 = table.T
    rep = _make_repack(V)(t32)
    Vp = rep.shape[0] * 128 // D
    table_lin = rep.reshape(Vp, D)
    out_pad = _make_gather(Vp, D, B)(table_lin, idx_perm)
    out3 = out_pad.reshape(fields, batch, 128)[:, :, :D]
    return jnp.transpose(out3, (1, 0, 2))

# --- scband reference (transcript-rebuilt; emitter-appended) ---
"""Pipeline reference for scband-category-embeddings-21199958573616 (READ-ONLY COPY).

The authoritative reference and input builder live on the scoring server;
editing this copy changes nothing except your own understanding.
"""

import jax, jax.numpy as jnp
import numpy as np

NUM_CATS = 1000000
EMBED_DIM = 32
BATCH = 16384
FIELDS = 26

def setup_inputs(seed: int = 0) -> dict:
    key = jax.random.key(seed)
    k1, k2 = jax.random.split(key)
    cat_idx = jax.random.randint(k1, (BATCH, FIELDS), 0, NUM_CATS, dtype=jnp.int64 if jax.config.jax_enable_x64 else jnp.int32)
    table = jax.random.normal(k2, (NUM_CATS, EMBED_DIM), dtype=jnp.float32)
    return {"cat_idx": cat_idx, "table": table}

def reference(cat_idx, table):
    # nn.Embedding lookup: gather rows of the table
    embed = jnp.take(table, cat_idx, axis=0)
    return embed

if __name__ == "__main__":
    import jax
    _d = setup_inputs()
    print(jax.jit(kernel)(*tuple(_d.values())))

</pallas_src>

<mosaic_0001>
#map = affine_map<(d0, d1) -> (0, 0)>
#map1 = affine_map<(d0, d1) -> (0)>
module attributes {stable_mosaic.version = 14 : i64} {
  func.func @gather_kernel(%arg0: i32, %arg1: i32, %arg2: memref<1007616x32xf32, #tpu.memory_space<hbm>>, %arg3: memref<425984xi32, #tpu.memory_space<hbm>>, %arg4: memref<425984x128xf32, #tpu.memory_space<hbm>>, %arg5: memref<13312xi32, #tpu.memory_space<vmem>>, %arg6: memref<832x32xf32, #tpu.memory_space<vmem>>, %arg7: memref<832x32xf32, #tpu.memory_space<vmem>>, %arg8: memref<832x32xf32, #tpu.memory_space<vmem>>, %arg9: memref<832x32xf32, #tpu.memory_space<vmem>>, %arg10: memref<!tpu.dma_semaphore, #tpu.memory_space<semaphore_mem>>, %arg11: memref<!tpu.dma_semaphore, #tpu.memory_space<semaphore_mem>>, %arg12: memref<!tpu.dma_semaphore, #tpu.memory_space<semaphore_mem>>, %arg13: memref<!tpu.dma_semaphore, #tpu.memory_space<semaphore_mem>>, %arg14: memref<!tpu.dma_semaphore, #tpu.memory_space<semaphore_mem>>, %arg15: memref<!tpu.dma_semaphore, #tpu.memory_space<semaphore_mem>>, %arg16: memref<!tpu.dma_semaphore, #tpu.memory_space<semaphore_mem>>, %arg17: memref<!tpu.dma_semaphore, #tpu.memory_space<semaphore_mem>>) attributes {dimension_semantics = [#tpu.dimension_semantics<core_parallel>, #tpu.dimension_semantics<subcore_parallel>], iteration_bounds = array<i64: 2, 16>, scalar_prefetch = 0 : i64, scratch_operands = 13 : i64, tpu.core_type = #tpu.core_type<sc_vector_subcore>, window_params = [{transform_indices = #map}, {transform_indices = #map1}, {transform_indices = #map}]} {
    %mul3A = arith.constant 2 : i32
    %mul3A_0 = arith.muli %arg1, %mul3A : i32
    %add3A = arith.addi %mul3A_0, %arg0 : i32
    %mul3A_1 = arith.constant 13312 : i32
    %mul3A_2 = arith.muli %add3A, %mul3A_1 : i32
    "tpu.region"() ({
      %run_scoped3A = tpu.sem_alloc : memref<!tpu.dma_semaphore, #tpu.memory_space<semaphore_mem>>
      %dma_start3A_321 = tpu.memref_slice %arg3[%mul3A_2] : memref<425984xi32, #tpu.memory_space<hbm>> -> memref<13312xi32, #tpu.memory_space<hbm>>
      %dma_start3A_322 = tpu.memref_slice %arg3[%mul3A_2] : memref<425984xi32, #tpu.memory_space<hbm>> -> memref<13312xi32, #tpu.memory_space<hbm>>
      tpu.enqueue_dma source(%dma_start3A_322 : memref<13312xi32, #tpu.memory_space<hbm>>) target(%arg5 : memref<13312xi32, #tpu.memory_space<vmem>>) target_semaphore(%run_scoped3A : memref<!tpu.dma_semaphore, #tpu.memory_space<semaphore_mem>>)
      %dma_wait3A_323 = tpu.memref_slice %arg3[%mul3A_2] : memref<425984xi32, #tpu.memory_space<hbm>> -> memref<13312xi32, #tpu.memory_space<hbm>>
      %dma_wait3A_324 = tpu.memref_slice %arg3[%mul3A_2] : memref<425984xi32, #tpu.memory_space<hbm>> -> memref<13312xi32, #tpu.memory_space<hbm>>
      tpu.wait_dma2 semaphore(%run_scoped3A : memref<!tpu.dma_semaphore, #tpu.memory_space<semaphore_mem>>) src(%dma_wait3A_324 : memref<13312xi32, #tpu.memory_space<hbm>>) dst(%arg5 : memref<13312xi32, #tpu.memory_space<vmem>>)
      tpu.yield
    }) : () -> ()
    %dma_start3A = arith.constant 0 : i32
    %dma_start3A_3 = tpu.memref_slice %arg5[%dma_start3A] : memref<13312xi32, #tpu.memory_space<vmem>> -> memref<832xi32, #tpu.memory_space<vmem>>
    %dma_start3A_4 = arith.constant 0 : i32
    %dma_start3A_5 = arith.constant 0 : i32
    %dma_start3A_6 = tpu.memref_slice %arg2[%dma_start3A_4, %dma_start3A_5] : memref<1007616x32xf32, #tpu.memory_space<hbm>> -> memref<1007616x32xf32, #tpu.memory_space<hbm>>
    tpu.enqueue_indirect_dma source(%dma_start3A_6 : memref<1007616x32xf32, #tpu.memory_space<hbm>>) target(%arg6 : memref<832x32xf32, #tpu.memory_space<vmem>>) offsets(%dma_start3A_3 : memref<832xi32, #tpu.memory_space<vmem>>) semaphore(%arg10 : memref<!tpu.dma_semaphore, #tpu.memory_space<semaphore_mem>>)
    %dma_start3A_7 = arith.constant 832 : i32
    %dma_start3A_8 = tpu.memref_slice %arg5[%dma_start3A_7] : memref<13312xi32, #tpu.memory_space<vmem>> -> memref<832xi32, #tpu.memory_space<vmem>>
    %dma_start3A_9 = arith.constant 0 : i32
    %dma_start3A_10 = arith.constant 0 : i32
    %dma_start3A_11 = tpu.memref_slice %arg2[%dma_start3A_9, %dma_start3A_10] : memref<1007616x32xf32, #tpu.memory_space<hbm>> -> memref<1007616x32xf32, #tpu.memory_space<hbm>>
    tpu.enqueue_indirect_dma source(%dma_start3A_11 : memref<1007616x32xf32, #tpu.memory_space<hbm>>) target(%arg7 : memref<832x32xf32, #tpu.memory_space<vmem>>) offsets(%dma_start3A_8 : memref<832xi32, #tpu.memory_space<vmem>>) semaphore(%arg11 : memref<!tpu.dma_semaphore, #tpu.memory_space<semaphore_mem>>)
    %dma_start3A_12 = arith.constant 1664 : i32
    %dma_start3A_13 = tpu.memref_slice %arg5[%dma_start3A_12] : memref<13312xi32, #tpu.memory_space<vmem>> -> memref<832xi32, #tpu.memory_space<vmem>>
    %dma_start3A_14 = arith.constant 0 : i32
    %dma_start3A_15 = arith.constant 0 : i32
    %dma_start3A_16 = tpu.memref_slice %arg2[%dma_start3A_14, %dma_start3A_15] : memref<1007616x32xf32, #tpu.memory_space<hbm>> -> memref<1007616x32xf32, #tpu.memory_space<hbm>>
    tpu.enqueue_indirect_dma source(%dma_start3A_16 : memref<1007616x32xf32, #tpu.memory_space<hbm>>) target(%arg8 : memref<832x32xf32, #tpu.memory_space<vmem>>) offsets(%dma_start3A_13 : memref<832xi32, #tpu.memory_space<vmem>>) semaphore(%arg12 : memref<!tpu.dma_semaphore, #tpu.memory_space<semaphore_mem>>)
    %dma_start3A_17 = arith.constant 2496 : i32
    %dma_start3A_18 = tpu.memref_slice %arg5[%dma_start3A_17] : memref<13312xi32, #tpu.memory_space<vmem>> -> memref<832xi32, #tpu.memory_space<vmem>>
    %dma_start3A_19 = arith.constant 0 : i32
    %dma_start3A_20 = arith.constant 0 : i32
    %dma_start3A_21 = tpu.memref_slice %arg2[%dma_start3A_19, %dma_start3A_20] : memref<1007616x32xf32, #tpu.memory_space<hbm>> -> memref<1007616x32xf32, #tpu.memory_space<hbm>>
    tpu.enqueue_indirect_dma source(%dma_start3A_21 : memref<1007616x32xf32, #tpu.memory_space<hbm>>) target(%arg9 : memref<832x32xf32, #tpu.memory_space<vmem>>) offsets(%dma_start3A_18 : memref<832xi32, #tpu.memory_space<vmem>>) semaphore(%arg13 : memref<!tpu.dma_semaphore, #tpu.memory_space<semaphore_mem>>)
    %dma_wait3A = arith.constant 0 : i32
    %dma_wait3A_22 = tpu.memref_slice %arg5[%dma_wait3A] : memref<13312xi32, #tpu.memory_space<vmem>> -> memref<832xi32, #tpu.memory_space<vmem>>
    %dma_wait3A_23 = arith.constant 0 : i32
    %dma_wait3A_24 = arith.constant 0 : i32
    %dma_wait3A_25 = tpu.memref_slice %arg2[%dma_wait3A_23, %dma_wait3A_24] : memref<1007616x32xf32, #tpu.memory_space<hbm>> -> memref<1007616x32xf32, #tpu.memory_space<hbm>>
    tpu.wait_indirect_dma semaphore(%arg10 : memref<!tpu.dma_semaphore, #tpu.memory_space<semaphore_mem>>) src(%dma_wait3A_25 : memref<1007616x32xf32, #tpu.memory_space<hbm>>) dst(%arg6 : memref<832x32xf32, #tpu.memory_space<vmem>>)
    %add3A_26 = arith.constant 0 : i32
    %add3A_27 = arith.addi %mul3A_2, %add3A_26 : i32
    %dma_start3A_28 = arith.constant 0 : i32
    %dma_start3A_29 = tpu.memref_slice %arg4[%add3A_27, %dma_start3A_28] : memref<425984x128xf32, #tpu.memory_space<hbm>> -> memref<832x32xf32, #tpu.memory_space<hbm>>
    %dma_start3A_30 = arith.constant 0 : i32
    %dma_start3A_31 = tpu.memref_slice %arg4[%add3A_27, %dma_start3A_30] : memref<425984x128xf32, #tpu.memory_space<hbm>> -> memref<832x32xf32, #tpu.memory_space<hbm>>
    tpu.enqueue_dma source(%arg6 : memref<832x32xf32, #tpu.memory_space<vmem>>) target(%dma_start3A_31 : memref<832x32xf32, #tpu.memory_space<hbm>>) target_semaphore(%arg14 : memref<!tpu.dma_semaphore, #tpu.memory_space<semaphore_mem>>)
    %dma_wait3A_32 = arith.constant 0 : i32
    %dma_wait3A_33 = tpu.memref_slice %arg4[%add3A_27, %dma_wait3A_32] : memref<425984x128xf32, #tpu.memory_space<hbm>> -> memref<832x32xf32, #tpu.memory_space<hbm>>
    %dma_wait3A_34 = arith.constant 0 : i32
    %dma_wait3A_35 = tpu.memref_slice %arg4[%add3A_27, %dma_wait3A_34] : memref<425984x128xf32, #tpu.memory_space<hbm>> -> memref<832x32xf32, #tpu.memory_space<hbm>>
    tpu.wait_dma2 semaphore(%arg14 : memref<!tpu.dma_semaphore, #tpu.memory_space<semaphore_mem>>) src(%arg6 : memref<832x32xf32, #tpu.memory_space<vmem>>) dst(%dma_wait3A_35 : memref<832x32xf32, #tpu.memory_space<hbm>>)
    %dma_start3A_36 = arith.constant 3328 : i32
    %dma_start3A_37 = tpu.memref_slice %arg5[%dma_start3A_36] : memref<13312xi32, #tpu.memory_space<vmem>> -> memref<832xi32, #tpu.memory_space<vmem>>
    %dma_start3A_38 = arith.constant 0 : i32
    %dma_start3A_39 = arith.constant 0 : i32
    %dma_start3A_40 = tpu.memref_slice %arg2[%dma_start3A_38, %dma_start3A_39] : memref<1007616x32xf32, #tpu.memory_space<hbm>> -> memref<1007616x32xf32, #tpu.memory_space<hbm>>
    tpu.enqueue_indirect_dma source(%dma_start3A_40 : memref<1007616x32xf32, #tpu.memory_space<hbm>>) target(%arg6 : memref<832x32xf32, #tpu.memory_space<vmem>>) offsets(%dma_start3A_37 : memref<832xi32, #tpu.memory_space<vmem>>) semaphore(%arg10 : memref<!tpu.dma_semaphore, #tpu.memory_space<semaphore_mem>>)
    %dma_wait3A_41 = arith.constant 832 : i32
    %dma_wait3A_42 = tpu.memref_slice %arg5[%dma_wait3A_41] : memref<13312xi32, #tpu.memory_space<vmem>> -> memref<832xi32, #tpu.memory_space<vmem>>
    %dma_wait3A_43 = arith.constant 0 : i32
    %dma_wait3A_44 = arith.constant 0 : i32
    %dma_wait3A_45 = tpu.memref_slice %arg2[%dma_wait3A_43, %dma_wait3A_44] : memref<1007616x32xf32, #tpu.memory_space<hbm>> -> memref<1007616x32xf32, #tpu.memory_space<hbm>>
    tpu.wait_indirect_dma semaphore(%arg11 : memref<!tpu.dma_semaphore, #tpu.memory_space<semaphore_mem>>) src(%dma_wait3A_45 : memref<1007616x32xf32, #tpu.memory_space<hbm>>) dst(%arg7 : memref<832x32xf32, #tpu.memory_space<vmem>>)
    %add3A_46 = arith.constant 832 : i32
    %add3A_47 = arith.addi %mul3A_2, %add3A_46 : i32
    %dma_start3A_48 = arith.constant 0 : i32
    %dma_start3A_49 = tpu.memref_slice %arg4[%add3A_47, %dma_start3A_48] : memref<425984x128xf32, #tpu.memory_space<hbm>> -> memref<832x32xf32, #tpu.memory_space<hbm>>
    %dma_start3A_50 = arith.constant 0 : i32
    %dma_start3A_51 = tpu.memref_slice %arg4[%add3A_47, %dma_start3A_50] : memref<425984x128xf32, #tpu.memory_space<hbm>> -> memref<832x32xf32, #tpu.memory_space<hbm>>
    tpu.enqueue_dma source(%arg7 : memref<832x32xf32, #tpu.memory_space<vmem>>) target(%dma_start3A_51 : memref<832x32xf32, #tpu.memory_space<hbm>>) target_semaphore(%arg15 : memref<!tpu.dma_semaphore, #tpu.memory_space<semaphore_mem>>)
    %dma_wait3A_52 = arith.constant 0 : i32
    %dma_wait3A_53 = tpu.memref_slice %arg4[%add3A_47, %dma_wait3A_52] : memref<425984x128xf32, #tpu.memory_space<hbm>> -> memref<832x32xf32, #tpu.memory_space<hbm>>
    %dma_wait3A_54 = arith.constant 0 : i32
    %dma_wait3A_55 = tpu.memref_slice %arg4[%add3A_47, %dma_wait3A_54] : memref<425984x128xf32, #tpu.memory_space<hbm>> -> memref<832x32xf32, #tpu.memory_space<hbm>>
    tpu.wait_dma2 semaphore(%arg15 : memref<!tpu.dma_semaphore, #tpu.memory_space<semaphore_mem>>) src(%arg7 : memref<832x32xf32, #tpu.memory_space<vmem>>) dst(%dma_wait3A_55 : memref<832x32xf32, #tpu.memory_space<hbm>>)
    %dma_start3A_56 = arith.constant 4160 : i32
    %dma_start3A_57 = tpu.memref_slice %arg5[%dma_start3A_56] : memref<13312xi32, #tpu.memory_space<vmem>> -> memref<832xi32, #tpu.memory_space<vmem>>
    %dma_start3A_58 = arith.constant 0 : i32
    %dma_start3A_59 = arith.constant 0 : i32
    %dma_start3A_60 = tpu.memref_slice %arg2[%dma_start3A_58, %dma_start3A_59] : memref<1007616x32xf32, #tpu.memory_space<hbm>> -> memref<1007616x32xf32, #tpu.memory_space<hbm>>
    tpu.enqueue_indirect_dma source(%dma_start3A_60 : memref<1007616x32xf32, #tpu.memory_space<hbm>>) target(%arg7 : memref<832x32xf32, #tpu.memory_space<vmem>>) offsets(%dma_start3A_57 : memref<832xi32, #tpu.memory_space<vmem>>) semaphore(%arg11 : memref<!tpu.dma_semaphore, #tpu.memory_space<semaphore_mem>>)
    %dma_wait3A_61 = arith.constant 1664 : i32
    %dma_wait3A_62 = tpu.memref_slice %arg5[%dma_wait3A_61] : memref<13312xi32, #tpu.memory_space<vmem>> -> memref<832xi32, #tpu.memory_space<vmem>>
    %dma_wait3A_63 = arith.constant 0 : i32
    %dma_wait3A_64 = arith.constant 0 : i32
    %dma_wait3A_65 = tpu.memref_slice %arg2[%dma_wait3A_63, %dma_wait3A_64] : memref<1007616x32xf32, #tpu.memory_space<hbm>> -> memref<1007616x32xf32, #tpu.memory_space<hbm>>
    tpu.wait_indirect_dma semaphore(%arg12 : memref<!tpu.dma_semaphore, #tpu.memory_space<semaphore_mem>>) src(%dma_wait3A_65 : memref<1007616x32xf32, #tpu.memory_space<hbm>>) dst(%arg8 : memref<832x32xf32, #tpu.memory_space<vmem>>)
    %add3A_66 = arith.constant 1664 : i32
    %add3A_67 = arith.addi %mul3A_2, %add3A_66 : i32
    %dma_start3A_68 = arith.constant 0 : i32
    %dma_start3A_69 = tpu.memref_slice %arg4[%add3A_67, %dma_start3A_68] : memref<425984x128xf32, #tpu.memory_space<hbm>> -> memref<832x32xf32, #tpu.memory_space<hbm>>
    %dma_start3A_70 = arith.constant 0 : i32
    %dma_start3A_71 = tpu.memref_slice %arg4[%add3A_67, %dma_start3A_70] : memref<425984x128xf32, #tpu.memory_space<hbm>> -> memref<832x32xf32, #tpu.memory_space<hbm>>
    tpu.enqueue_dma source(%arg8 : memref<832x32xf32, #tpu.memory_space<vmem>>) target(%dma_start3A_71 : memref<832x32xf32, #tpu.memory_space<hbm>>) target_semaphore(%arg16 : memref<!tpu.dma_semaphore, #tpu.memory_space<semaphore_mem>>)
    %dma_wait3A_72 = arith.constant 0 : i32
    %dma_wait3A_73 = tpu.memref_slice %arg4[%add3A_67, %dma_wait3A_72] : memref<425984x128xf32, #tpu.memory_space<hbm>> -> memref<832x32xf32, #tpu.memory_space<hbm>>
    %dma_wait3A_74 = arith.constant 0 : i32
    %dma_wait3A_75 = tpu.memref_slice %arg4[%add3A_67, %dma_wait3A_74] : memref<425984x128xf32, #tpu.memory_space<hbm>> -> memref<832x32xf32, #tpu.memory_space<hbm>>
    tpu.wait_dma2 semaphore(%arg16 : memref<!tpu.dma_semaphore, #tpu.memory_space<semaphore_mem>>) src(%arg8 : memref<832x32xf32, #tpu.memory_space<vmem>>) dst(%dma_wait3A_75 : memref<832x32xf32, #tpu.memory_space<hbm>>)
    %dma_start3A_76 = arith.constant 4992 : i32
    %dma_start3A_77 = tpu.memref_slice %arg5[%dma_start3A_76] : memref<13312xi32, #tpu.memory_space<vmem>> -> memref<832xi32, #tpu.memory_space<vmem>>
    %dma_start3A_78 = arith.constant 0 : i32
    %dma_start3A_79 = arith.constant 0 : i32
    %dma_start3A_80 = tpu.memref_slice %arg2[%dma_start3A_78, %dma_start3A_79] : memref<1007616x32xf32, #tpu.memory_space<hbm>> -> memref<1007616x32xf32, #tpu.memory_space<hbm>>
    tpu.enqueue_indirect_dma source(%dma_start3A_80 : memref<1007616x32xf32, #tpu.memory_space<hbm>>) target(%arg8 : memref<832x32xf32, #tpu.memory_space<vmem>>) offsets(%dma_start3A_77 : memref<832xi32, #tpu.memory_space<vmem>>) semaphore(%arg12 : memref<!tpu.dma_semaphore, #tpu.memory_space<semaphore_mem>>)
    %dma_wait3A_81 = arith.constant 2496 : i32
    %dma_wait3A_82 = tpu.memref_slice %arg5[%dma_wait3A_81] : memref<13312xi32, #tpu.memory_space<vmem>> -> memref<832xi32, #tpu.memory_space<vmem>>
    %dma_wait3A_83 = arith.constant 0 : i32
    %dma_wait3A_84 = arith.constant 0 : i32
    %dma_wait3A_85 = tpu.memref_slice %arg2[%dma_wait3A_83, %dma_wait3A_84] : memref<1007616x32xf32, #tpu.memory_space<hbm>> -> memref<1007616x32xf32, #tpu.memory_space<hbm>>
    tpu.wait_indirect_dma semaphore(%arg13 : memref<!tpu.dma_semaphore, #tpu.memory_space<semaphore_mem>>) src(%dma_wait3A_85 : memref<1007616x32xf32, #tpu.memory_space<hbm>>) dst(%arg9 : memref<832x32xf32, #tpu.memory_space<vmem>>)
    %add3A_86 = arith.constant 2496 : i32
    %add3A_87 = arith.addi %mul3A_2, %add3A_86 : i32
    %dma_start3A_88 = arith.constant 0 : i32
    %dma_start3A_89 = tpu.memref_slice %arg4[%add3A_87, %dma_start3A_88] : memref<425984x128xf32, #tpu.memory_space<hbm>> -> memref<832x32xf32, #tpu.memory_space<hbm>>
    %dma_start3A_90 = arith.constant 0 : i32
    %dma_start3A_91 = tpu.memref_slice %arg4[%add3A_87, %dma_start3A_90] : memref<425984x128xf32, #tpu.memory_space<hbm>> -> memref<832x32xf32, #tpu.memory_space<hbm>>
    tpu.enqueue_dma source(%arg9 : memref<832x32xf32, #tpu.memory_space<vmem>>) target(%dma_start3A_91 : memref<832x32xf32, #tpu.memory_space<hbm>>) target_semaphore(%arg17 : memref<!tpu.dma_semaphore, #tpu.memory_space<semaphore_mem>>)
    %dma_wait3A_92 = arith.constant 0 : i32
    %dma_wait3A_93 = tpu.memref_slice %arg4[%add3A_87, %dma_wait3A_92] : memref<425984x128xf32, #tpu.memory_space<hbm>> -> memref<832x32xf32, #tpu.memory_space<hbm>>
    %dma_wait3A_94 = arith.constant 0 : i32
    %dma_wait3A_95 = tpu.memref_slice %arg4[%add3A_87, %dma_wait3A_94] : memref<425984x128xf32, #tpu.memory_space<hbm>> -> memref<832x32xf32, #tpu.memory_space<hbm>>
    tpu.wait_dma2 semaphore(%arg17 : memref<!tpu.dma_semaphore, #tpu.memory_space<semaphore_mem>>) src(%arg9 : memref<832x32xf32, #tpu.memory_space<vmem>>) dst(%dma_wait3A_95 : memref<832x32xf32, #tpu.memory_space<hbm>>)
    %dma_start3A_96 = arith.constant 5824 : i32
    %dma_start3A_97 = tpu.memref_slice %arg5[%dma_start3A_96] : memref<13312xi32, #tpu.memory_space<vmem>> -> memref<832xi32, #tpu.memory_space<vmem>>
    %dma_start3A_98 = arith.constant 0 : i32
    %dma_start3A_99 = arith.constant 0 : i32
    %dma_start3A_100 = tpu.memref_slice %arg2[%dma_start3A_98, %dma_start3A_99] : memref<1007616x32xf32, #tpu.memory_space<hbm>> -> memref<1007616x32xf32, #tpu.memory_space<hbm>>
    tpu.enqueue_indirect_dma source(%dma_start3A_100 : memref<1007616x32xf32, #tpu.memory_space<hbm>>) target(%arg9 : memref<832x32xf32, #tpu.memory_space<vmem>>) offsets(%dma_start3A_97 : memref<832xi32, #tpu.memory_space<vmem>>) semaphore(%arg13 : memref<!tpu.dma_semaphore, #tpu.memory_space<semaphore_mem>>)
    %dma_wait3A_101 = arith.constant 3328 : i32
    %dma_wait3A_102 = tpu.memref_slice %arg5[%dma_wait3A_101] : memref<13312xi32, #tpu.memory_space<vmem>> -> memref<832xi32, #tpu.memory_space<vmem>>
    %dma_wait3A_103 = arith.constant 0 : i32
    %dma_wait3A_104 = arith.constant 0 : i32
    %dma_wait3A_105 = tpu.memref_slice %arg2[%dma_wait3A_103, %dma_wait3A_104] : memref<1007616x32xf32, #tpu.memory_space<hbm>> -> memref<1007616x32xf32, #tpu.memory_space<hbm>>
    tpu.wait_indirect_dma semaphore(%arg10 : memref<!tpu.dma_semaphore, #tpu.memory_space<semaphore_mem>>) src(%dma_wait3A_105 : memref<1007616x32xf32, #tpu.memory_space<hbm>>) dst(%arg6 : memref<832x32xf32, #tpu.memory_space<vmem>>)
    %add3A_106 = arith.constant 3328 : i32
    %add3A_107 = arith.addi %mul3A_2, %add3A_106 : i32
    %dma_start3A_108 = arith.constant 0 : i32
    %dma_start3A_109 = tpu.memref_slice %arg4[%add3A_107, %dma_start3A_108] : memref<425984x128xf32, #tpu.memory_space<hbm>> -> memref<832x32xf32, #tpu.memory_space<hbm>>
    %dma_start3A_110 = arith.constant 0 : i32
    %dma_start3A_111 = tpu.memref_slice %arg4[%add3A_107, %dma_start3A_110] : memref<425984x128xf32, #tpu.memory_space<hbm>> -> memref<832x32xf32, #tpu.memory_space<hbm>>
    tpu.enqueue_dma source(%arg6 : memref<832x32xf32, #tpu.memory_space<vmem>>) target(%dma_start3A_111 : memref<832x32xf32, #tpu.memory_space<hbm>>) target_semaphore(%arg14 : memref<!tpu.dma_semaphore, #tpu.memory_space<semaphore_mem>>)
    %dma_wait3A_112 = arith.constant 0 : i32
    %dma_wait3A_113 = tpu.memref_slice %arg4[%add3A_107, %dma_wait3A_112] : memref<425984x128xf32, #tpu.memory_space<hbm>> -> memref<832x32xf32, #tpu.memory_space<hbm>>
    %dma_wait3A_114 = arith.constant 0 : i32
    %dma_wait3A_115 = tpu.memref_slice %arg4[%add3A_107, %dma_wait3A_114] : memref<425984x128xf32, #tpu.memory_space<hbm>> -> memref<832x32xf32, #tpu.memory_space<hbm>>
    tpu.wait_dma2 semaphore(%arg14 : memref<!tpu.dma_semaphore, #tpu.memory_space<semaphore_mem>>) src(%arg6 : memref<832x32xf32, #tpu.memory_space<vmem>>) dst(%dma_wait3A_115 : memref<832x32xf32, #tpu.memory_space<hbm>>)
    %dma_start3A_116 = arith.constant 6656 : i32
    %dma_start3A_117 = tpu.memref_slice %arg5[%dma_start3A_116] : memref<13312xi32, #tpu.memory_space<vmem>> -> memref<832xi32, #tpu.memory_space<vmem>>
    %dma_start3A_118 = arith.constant 0 : i32
    %dma_start3A_119 = arith.constant 0 : i32
    %dma_start3A_120 = tpu.memref_slice %arg2[%dma_start3A_118, %dma_start3A_119] : memref<1007616x32xf32, #tpu.memory_space<hbm>> -> memref<1007616x32xf32, #tpu.memory_space<hbm>>
    tpu.enqueue_indirect_dma source(%dma_start3A_120 : memref<1007616x32xf32, #tpu.memory_space<hbm>>) target(%arg6 : memref<832x32xf32, #tpu.memory_space<vmem>>) offsets(%dma_start3A_117 : memref<832xi32, #tpu.memory_space<vmem>>) semaphore(%arg10 : memref<!tpu.dma_semaphore, #tpu.memory_space<semaphore_mem>>)
    %dma_wait3A_121 = arith.constant 4160 : i32
    %dma_wait3A_122 = tpu.memref_slice %arg5[%dma_wait3A_121] : memref<13312xi32, #tpu.memory_space<vmem>> -> memref<832xi32, #tpu.memory_space<vmem>>
    %dma_wait3A_123 = arith.constant 0 : i32
    %dma_wait3A_124 = arith.constant 0 : i32
    %dma_wait3A_125 = tpu.memref_slice %arg2[%dma_wait3A_123, %dma_wait3A_124] : memref<1007616x32xf32, #tpu.memory_space<hbm>> -> memref<1007616x32xf32, #tpu.memory_space<hbm>>
    tpu.wait_indirect_dma semaphore(%arg11 : memref<!tpu.dma_semaphore, #tpu.memory_space<semaphore_mem>>) src(%dma_wait3A_125 : memref<1007616x32xf32, #tpu.memory_space<hbm>>) dst(%arg7 : memref<832x32xf32, #tpu.memory_space<vmem>>)
    %add3A_126 = arith.constant 4160 : i32
    %add3A_127 = arith.addi %mul3A_2, %add3A_126 : i32
    %dma_start3A_128 = arith.constant 0 : i32
    %dma_start3A_129 = tpu.memref_slice %arg4[%add3A_127, %dma_start3A_128] : memref<425984x128xf32, #tpu.memory_space<hbm>> -> memref<832x32xf32, #tpu.memory_space<hbm>>
    %dma_start3A_130 = arith.constant 0 : i32
    %dma_start3A_131 = tpu.memref_slice %arg4[%add3A_127, %dma_start3A_130] : memref<425984x128xf32, #tpu.memory_space<hbm>> -> memref<832x32xf32, #tpu.memory_space<hbm>>
    tpu.enqueue_dma source(%arg7 : memref<832x32xf32, #tpu.memory_space<vmem>>) target(%dma_start3A_131 : memref<832x32xf32, #tpu.memory_space<hbm>>) target_semaphore(%arg15 : memref<!tpu.dma_semaphore, #tpu.memory_space<semaphore_mem>>)
    %dma_wait3A_132 = arith.constant 0 : i32
    %dma_wait3A_133 = tpu.memref_slice %arg4[%add3A_127, %dma_wait3A_132] : memref<425984x128xf32, #tpu.memory_space<hbm>> -> memref<832x32xf32, #tpu.memory_space<hbm>>
    %dma_wait3A_134 = arith.constant 0 : i32
    %dma_wait3A_135 = tpu.memref_slice %arg4[%add3A_127, %dma_wait3A_134] : memref<425984x128xf32, #tpu.memory_space<hbm>> -> memref<832x32xf32, #tpu.memory_space<hbm>>
    tpu.wait_dma2 semaphore(%arg15 : memref<!tpu.dma_semaphore, #tpu.memory_space<semaphore_mem>>) src(%arg7 : memref<832x32xf32, #tpu.memory_space<vmem>>) dst(%dma_wait3A_135 : memref<832x32xf32, #tpu.memory_space<hbm>>)
    %dma_start3A_136 = arith.constant 7488 : i32
    %dma_start3A_137 = tpu.memref_slice %arg5[%dma_start3A_136] : memref<13312xi32, #tpu.memory_space<vmem>> -> memref<832xi32, #tpu.memory_space<vmem>>
    %dma_start3A_138 = arith.constant 0 : i32
    %dma_start3A_139 = arith.constant 0 : i32
    %dma_start3A_140 = tpu.memref_slice %arg2[%dma_start3A_138, %dma_start3A_139] : memref<1007616x32xf32, #tpu.memory_space<hbm>> -> memref<1007616x32xf32, #tpu.memory_space<hbm>>
    tpu.enqueue_indirect_dma source(%dma_start3A_140 : memref<1007616x32xf32, #tpu.memory_space<hbm>>) target(%arg7 : memref<832x32xf32, #tpu.memory_space<vmem>>) offsets(%dma_start3A_137 : memref<832xi32, #tpu.memory_space<vmem>>) semaphore(%arg11 : memref<!tpu.dma_semaphore, #tpu.memory_space<semaphore_mem>>)
    %dma_wait3A_141 = arith.constant 4992 : i32
    %dma_wait3A_142 = tpu.memref_slice %arg5[%dma_wait3A_141] : memref<13312xi32, #tpu.memory_space<vmem>> -> memref<832xi32, #tpu.memory_space<vmem>>
    %dma_wait3A_143 = arith.constant 0 : i32
    %dma_wait3A_144 = arith.constant 0 : i32
    %dma_wait3A_145 = tpu.memref_slice %arg2[%dma_wait3A_143, %dma_wait3A_144] : memref<1007616x32xf32, #tpu.memory_space<hbm>> -> memref<1007616x32xf32, #tpu.memory_space<hbm>>
    tpu.wait_indirect_dma semaphore(%arg12 : memref<!tpu.dma_semaphore, #tpu.memory_space<semaphore_mem>>) src(%dma_wait3A_145 : memref<1007616x32xf32, #tpu.memory_space<hbm>>) dst(%arg8 : memref<832x32xf32, #tpu.memory_space<vmem>>)
    %add3A_146 = arith.constant 4992 : i32
    %add3A_147 = arith.addi %mul3A_2, %add3A_146 : i32
    %dma_start3A_148 = arith.constant 0 : i32
    %dma_start3A_149 = tpu.memref_slice %arg4[%add3A_147, %dma_start3A_148] : memref<425984x128xf32, #tpu.memory_space<hbm>> -> memref<832x32xf32, #tpu.memory_space<hbm>>
    %dma_start3A_150 = arith.constant 0 : i32
    %dma_start3A_151 = tpu.memref_slice %arg4[%add3A_147, %dma_start3A_150] : memref<425984x128xf32, #tpu.memory_space<hbm>> -> memref<832x32xf32, #tpu.memory_space<hbm>>
    tpu.enqueue_dma source(%arg8 : memref<832x32xf32, #tpu.memory_space<vmem>>) target(%dma_start3A_151 : memref<832x32xf32, #tpu.memory_space<hbm>>) target_semaphore(%arg16 : memref<!tpu.dma_semaphore, #tpu.memory_space<semaphore_mem>>)
    %dma_wait3A_152 = arith.constant 0 : i32
    %dma_wait3A_153 = tpu.memref_slice %arg4[%add3A_147, %dma_wait3A_152] : memref<425984x128xf32, #tpu.memory_space<hbm>> -> memref<832x32xf32, #tpu.memory_space<hbm>>
    %dma_wait3A_154 = arith.constant 0 : i32
    %dma_wait3A_155 = tpu.memref_slice %arg4[%add3A_147, %dma_wait3A_154] : memref<425984x128xf32, #tpu.memory_space<hbm>> -> memref<832x32xf32, #tpu.memory_space<hbm>>
    tpu.wait_dma2 semaphore(%arg16 : memref<!tpu.dma_semaphore, #tpu.memory_space<semaphore_mem>>) src(%arg8 : memref<832x32xf32, #tpu.memory_space<vmem>>) dst(%dma_wait3A_155 : memref<832x32xf32, #tpu.memory_space<hbm>>)
    %dma_start3A_156 = arith.constant 8320 : i32
    %dma_start3A_157 = tpu.memref_slice %arg5[%dma_start3A_156] : memref<13312xi32, #tpu.memory_space<vmem>> -> memref<832xi32, #tpu.memory_space<vmem>>
    %dma_start3A_158 = arith.constant 0 : i32
    %dma_start3A_159 = arith.constant 0 : i32
    %dma_start3A_160 = tpu.memref_slice %arg2[%dma_start3A_158, %dma_start3A_159] : memref<1007616x32xf32, #tpu.memory_space<hbm>> -> memref<1007616x32xf32, #tpu.memory_space<hbm>>
    tpu.enqueue_indirect_dma source(%dma_start3A_160 : memref<1007616x32xf32, #tpu.memory_space<hbm>>) target(%arg8 : memref<832x32xf32, #tpu.memory_space<vmem>>) offsets(%dma_start3A_157 : memref<832xi32, #tpu.memory_space<vmem>>) semaphore(%arg12 : memref<!tpu.dma_semaphore, #tpu.memory_space<semaphore_mem>>)
    %dma_wait3A_161 = arith.constant 5824 : i32
    %dma_wait3A_162 = tpu.memref_slice %arg5[%dma_wait3A_161] : memref<13312xi32, #tpu.memory_space<vmem>> -> memref<832xi32, #tpu.memory_space<vmem>>
    %dma_wait3A_163 = arith.constant 0 : i32
    %dma_wait3A_164 = arith.constant 0 : i32
    %dma_wait3A_165 = tpu.memref_slice %arg2[%dma_wait3A_163, %dma_wait3A_164] : memref<1007616x32xf32, #tpu.memory_space<hbm>> -> memref<1007616x32xf32, #tpu.memory_space<hbm>>
    tpu.wait_indirect_dma semaphore(%arg13 : memref<!tpu.dma_semaphore, #tpu.memory_space<semaphore_mem>>) src(%dma_wait3A_165 : memref<1007616x32xf32, #tpu.memory_space<hbm>>) dst(%arg9 : memref<832x32xf32, #tpu.memory_space<vmem>>)
    %add3A_166 = arith.constant 5824 : i32
    %add3A_167 = arith.addi %mul3A_2, %add3A_166 : i32
    %dma_start3A_168 = arith.constant 0 : i32
    %dma_start3A_169 = tpu.memref_slice %arg4[%add3A_167, %dma_start3A_168] : memref<425984x128xf32, #tpu.memory_space<hbm>> -> memref<832x32xf32, #tpu.memory_space<hbm>>
    %dma_start3A_170 = arith.constant 0 : i32
    %dma_start3A_171 = tpu.memref_slice %arg4[%add3A_167, %dma_start3A_170] : memref<425984x128xf32, #tpu.memory_space<hbm>> -> memref<832x32xf32, #tpu.memory_space<hbm>>
    tpu.enqueue_dma source(%arg9 : memref<832x32xf32, #tpu.memory_space<vmem>>) target(%dma_start3A_171 : memref<832x32xf32, #tpu.memory_space<hbm>>) target_semaphore(%arg17 : memref<!tpu.dma_semaphore, #tpu.memory_space<semaphore_mem>>)
    %dma_wait3A_172 = arith.constant 0 : i32
    %dma_wait3A_173 = tpu.memref_slice %arg4[%add3A_167, %dma_wait3A_172] : memref<425984x128xf32, #tpu.memory_space<hbm>> -> memref<832x32xf32, #tpu.memory_space<hbm>>
    %dma_wait3A_174 = arith.constant 0 : i32
    %dma_wait3A_175 = tpu.memref_slice %arg4[%add3A_167, %dma_wait3A_174] : memref<425984x128xf32, #tpu.memory_space<hbm>> -> memref<832x32xf32, #tpu.memory_space<hbm>>
    tpu.wait_dma2 semaphore(%arg17 : memref<!tpu.dma_semaphore, #tpu.memory_space<semaphore_mem>>) src(%arg9 : memref<832x32xf32, #tpu.memory_space<vmem>>) dst(%dma_wait3A_175 : memref<832x32xf32, #tpu.memory_space<hbm>>)
    %dma_start3A_176 = arith.constant 9152 : i32
    %dma_start3A_177 = tpu.memref_slice %arg5[%dma_start3A_176] : memref<13312xi32, #tpu.memory_space<vmem>> -> memref<832xi32, #tpu.memory_space<vmem>>
    %dma_start3A_178 = arith.constant 0 : i32
    %dma_start3A_179 = arith.constant 0 : i32
    %dma_start3A_180 = tpu.memref_slice %arg2[%dma_start3A_178, %dma_start3A_179] : memref<1007616x32xf32, #tpu.memory_space<hbm>> -> memref<1007616x32xf32, #tpu.memory_space<hbm>>
    tpu.enqueue_indirect_dma source(%dma_start3A_180 : memref<1007616x32xf32, #tpu.memory_space<hbm>>) target(%arg9 : memref<832x32xf32, #tpu.memory_space<vmem>>) offsets(%dma_start3A_177 : memref<832xi32, #tpu.memory_space<vmem>>) semaphore(%arg13 : memref<!tpu.dma_semaphore, #tpu.memory_space<semaphore_mem>>)
    %dma_wait3A_181 = arith.constant 6656 : i32
    %dma_wait3A_182 = tpu.memref_slice %arg5[%dma_wait3A_181] : memref<13312xi32, #tpu.memory_space<vmem>> -> memref<832xi32, #tpu.memory_space<vmem>>
    %dma_wait3A_183 = arith.constant 0 : i32
    %dma_wait3A_184 = arith.constant 0 : i32
    %dma_wait3A_185 = tpu.memref_slice %arg2[%dma_wait3A_183, %dma_wait3A_184] : memref<1007616x32xf32, #tpu.memory_space<hbm>> -> memref<1007616x32xf32, #tpu.memory_space<hbm>>
    tpu.wait_indirect_dma semaphore(%arg10 : memref<!tpu.dma_semaphore, #tpu.memory_space<semaphore_mem>>) src(%dma_wait3A_185 : memref<1007616x32xf32, #tpu.memory_space<hbm>>) dst(%arg6 : memref<832x32xf32, #tpu.memory_space<vmem>>)
    %add3A_186 = arith.constant 6656 : i32
    %add3A_187 = arith.addi %mul3A_2, %add3A_186 : i32
    %dma_start3A_188 = arith.constant 0 : i32
    %dma_start3A_189 = tpu.memref_slice %arg4[%add3A_187, %dma_start3A_188] : memref<425984x128xf32, #tpu.memory_space<hbm>> -> memref<832x32xf32, #tpu.memory_space<hbm>>
    %dma_start3A_190 = arith.constant 0 : i32
    %dma_start3A_191 = tpu.memref_slice %arg4[%add3A_187, %dma_start3A_190] : memref<425984x128xf32, #tpu.memory_space<hbm>> -> memref<832x32xf32, #tpu.memory_space<hbm>>
    tpu.enqueue_dma source(%arg6 : memref<832x32xf32, #tpu.memory_space<vmem>>) target(%dma_start3A_191 : memref<832x32xf32, #tpu.memory_space<hbm>>) target_semaphore(%arg14 : memref<!tpu.dma_semaphore, #tpu.memory_space<semaphore_mem>>)
    %dma_wait3A_192 = arith.constant 0 : i32
    %dma_wait3A_193 = tpu.memref_slice %arg4[%add3A_187, %dma_wait3A_192] : memref<425984x128xf32, #tpu.memory_space<hbm>> -> memref<832x32xf32, #tpu.memory_space<hbm>>
    %dma_wait3A_194 = arith.constant 0 : i32
    %dma_wait3A_195 = tpu.memref_slice %arg4[%add3A_187, %dma_wait3A_194] : memref<425984x128xf32, #tpu.memory_space<hbm>> -> memref<832x32xf32, #tpu.memory_space<hbm>>
    tpu.wait_dma2 semaphore(%arg14 : memref<!tpu.dma_semaphore, #tpu.memory_space<semaphore_mem>>) src(%arg6 : memref<832x32xf32, #tpu.memory_space<vmem>>) dst(%dma_wait3A_195 : memref<832x32xf32, #tpu.memory_space<hbm>>)
    %dma_start3A_196 = arith.constant 9984 : i32
    %dma_start3A_197 = tpu.memref_slice %arg5[%dma_start3A_196] : memref<13312xi32, #tpu.memory_space<vmem>> -> memref<832xi32, #tpu.memory_space<vmem>>
    %dma_start3A_198 = arith.constant 0 : i32
    %dma_start3A_199 = arith.constant 0 : i32
    %dma_start3A_200 = tpu.memref_slice %arg2[%dma_start3A_198, %dma_start3A_199] : memref<1007616x32xf32, #tpu.memory_space<hbm>> -> memref<1007616x32xf32, #tpu.memory_space<hbm>>
    tpu.enqueue_indirect_dma source(%dma_start3A_200 : memref<1007616x32xf32, #tpu.memory_space<hbm>>) target(%arg6 : memref<832x32xf32, #tpu.memory_space<vmem>>) offsets(%dma_start3A_197 : memref<832xi32, #tpu.memory_space<vmem>>) semaphore(%arg10 : memref<!tpu.dma_semaphore, #tpu.memory_space<semaphore_mem>>)
    %dma_wait3A_201 = arith.constant 7488 : i32
    %dma_wait3A_202 = tpu.memref_slice %arg5[%dma_wait3A_201] : memref<13312xi32, #tpu.memory_space<vmem>> -> memref<832xi32, #tpu.memory_space<vmem>>
    %dma_wait3A_203 = arith.constant 0 : i32
    %dma_wait3A_204 = arith.constant 0 : i32
    %dma_wait3A_205 = tpu.memref_slice %arg2[%dma_wait3A_203, %dma_wait3A_204] : memref<1007616x32xf32, #tpu.memory_space<hbm>> -> memref<1007616x32xf32, #tpu.memory_space<hbm>>
    tpu.wait_indirect_dma semaphore(%arg11 : memref<!tpu.dma_semaphore, #tpu.memory_space<semaphore_mem>>) src(%dma_wait3A_205 : memref<1007616x32xf32, #tpu.memory_space<hbm>>) dst(%arg7 : memref<832x32xf32, #tpu.memory_space<vmem>>)
    %add3A_206 = arith.constant 7488 : i32
    %add3A_207 = arith.addi %mul3A_2, %add3A_206 : i32
    %dma_start3A_208 = arith.constant 0 : i32
    %dma_start3A_209 = tpu.memref_slice %arg4[%add3A_207, %dma_start3A_208] : memref<425984x128xf32, #tpu.memory_space<hbm>> -> memref<832x32xf32, #tpu.memory_space<hbm>>
    %dma_start3A_210 = arith.constant 0 : i32
    %dma_start3A_211 = tpu.memref_slice %arg4[%add3A_207, %dma_start3A_210] : memref<425984x128xf32, #tpu.memory_space<hbm>> -> memref<832x32xf32, #tpu.memory_space<hbm>>
    tpu.enqueue_dma source(%arg7 : memref<832x32xf32, #tpu.memory_space<vmem>>) target(%dma_start3A_211 : memref<832x32xf32, #tpu.memory_space<hbm>>) target_semaphore(%arg15 : memref<!tpu.dma_semaphore, #tpu.memory_space<semaphore_mem>>)
    %dma_wait3A_212 = arith.constant 0 : i32
    %dma_wait3A_213 = tpu.memref_slice %arg4[%add3A_207, %dma_wait3A_212] : memref<425984x128xf32, #tpu.memory_space<hbm>> -> memref<832x32xf32, #tpu.memory_space<hbm>>
    %dma_wait3A_214 = arith.constant 0 : i32
    %dma_wait3A_215 = tpu.memref_slice %arg4[%add3A_207, %dma_wait3A_214] : memref<425984x128xf32, #tpu.memory_space<hbm>> -> memref<832x32xf32, #tpu.memory_space<hbm>>
    tpu.wait_dma2 semaphore(%arg15 : memref<!tpu.dma_semaphore, #tpu.memory_space<semaphore_mem>>) src(%arg7 : memref<832x32xf32, #tpu.memory_space<vmem>>) dst(%dma_wait3A_215 : memref<832x32xf32, #tpu.memory_space<hbm>>)
    %dma_start3A_216 = arith.constant 10816 : i32
    %dma_start3A_217 = tpu.memref_slice %arg5[%dma_start3A_216] : memref<13312xi32, #tpu.memory_space<vmem>> -> memref<832xi32, #tpu.memory_space<vmem>>
    %dma_start3A_218 = arith.constant 0 : i32
    %dma_start3A_219 = arith.constant 0 : i32
    %dma_start3A_220 = tpu.memref_slice %arg2[%dma_start3A_218, %dma_start3A_219] : memref<1007616x32xf32, #tpu.memory_space<hbm>> -> memref<1007616x32xf32, #tpu.memory_space<hbm>>
    tpu.enqueue_indirect_dma source(%dma_start3A_220 : memref<1007616x32xf32, #tpu.memory_space<hbm>>) target(%arg7 : memref<832x32xf32, #tpu.memory_space<vmem>>) offsets(%dma_start3A_217 : memref<832xi32, #tpu.memory_space<vmem>>) semaphore(%arg11 : memref<!tpu.dma_semaphore, #tpu.memory_space<semaphore_mem>>)
    %dma_wait3A_221 = arith.constant 8320 : i32
    %dma_wait3A_222 = tpu.memref_slice %arg5[%dma_wait3A_221] : memref<13312xi32, #tpu.memory_space<vmem>> -> memref<832xi32, #tpu.memory_space<vmem>>
    %dma_wait3A_223 = arith.constant 0 : i32
    %dma_wait3A_224 = arith.constant 0 : i32
    %dma_wait3A_225 = tpu.memref_slice %arg2[%dma_wait3A_223, %dma_wait3A_224] : memref<1007616x32xf32, #tpu.memory_space<hbm>> -> memref<1007616x32xf32, #tpu.memory_space<hbm>>
    tpu.wait_indirect_dma semaphore(%arg12 : memref<!tpu.dma_semaphore, #tpu.memory_space<semaphore_mem>>) src(%dma_wait3A_225 : memref<1007616x32xf32, #tpu.memory_space<hbm>>) dst(%arg8 : memref<832x32xf32, #tpu.memory_space<vmem>>)
    %add3A_226 = arith.constant 8320 : i32
    %add3A_227 = arith.addi %mul3A_2, %add3A_226 : i32
    %dma_start3A_228 = arith.constant 0 : i32
    %dma_start3A_229 = tpu.memref_slice %arg4[%add3A_227, %dma_start3A_228] : memref<425984x128xf32, #tpu.memory_space<hbm>> -> memref<832x32xf32, #tpu.memory_space<hbm>>
    %dma_start3A_230 = arith.constant 0 : i32
    %dma_start3A_231 = tpu.memref_slice %arg4[%add3A_227, %dma_start3A_230] : memref<425984x128xf32, #tpu.memory_space<hbm>> -> memref<832x32xf32, #tpu.memory_space<hbm>>
    tpu.enqueue_dma source(%arg8 : memref<832x32xf32, #tpu.memory_space<vmem>>) target(%dma_start3A_231 : memref<832x32xf32, #tpu.memory_space<hbm>>) target_semaphore(%arg16 : memref<!tpu.dma_semaphore, #tpu.memory_space<semaphore_mem>>)
    %dma_wait3A_232 = arith.constant 0 : i32
    %dma_wait3A_233 = tpu.memref_slice %arg4[%add3A_227, %dma_wait3A_232] : memref<425984x128xf32, #tpu.memory_space<hbm>> -> memref<832x32xf32, #tpu.memory_space<hbm>>
    %dma_wait3A_234 = arith.constant 0 : i32
    %dma_wait3A_235 = tpu.memref_slice %arg4[%add3A_227, %dma_wait3A_234] : memref<425984x128xf32, #tpu.memory_space<hbm>> -> memref<832x32xf32, #tpu.memory_space<hbm>>
    tpu.wait_dma2 semaphore(%arg16 : memref<!tpu.dma_semaphore, #tpu.memory_space<semaphore_mem>>) src(%arg8 : memref<832x32xf32, #tpu.memory_space<vmem>>) dst(%dma_wait3A_235 : memref<832x32xf32, #tpu.memory_space<hbm>>)
    %dma_start3A_236 = arith.constant 11648 : i32
    %dma_start3A_237 = tpu.memref_slice %arg5[%dma_start3A_236] : memref<13312xi32, #tpu.memory_space<vmem>> -> memref<832xi32, #tpu.memory_space<vmem>>
    %dma_start3A_238 = arith.constant 0 : i32
    %dma_start3A_239 = arith.constant 0 : i32
    %dma_start3A_240 = tpu.memref_slice %arg2[%dma_start3A_238, %dma_start3A_239] : memref<1007616x32xf32, #tpu.memory_space<hbm>> -> memref<1007616x32xf32, #tpu.memory_space<hbm>>
    tpu.enqueue_indirect_dma source(%dma_start3A_240 : memref<1007616x32xf32, #tpu.memory_space<hbm>>) target(%arg8 : memref<832x32xf32, #tpu.memory_space<vmem>>) offsets(%dma_start3A_237 : memref<832xi32, #tpu.memory_space<vmem>>) semaphore(%arg12 : memref<!tpu.dma_semaphore, #tpu.memory_space<semaphore_mem>>)
    %dma_wait3A_241 = arith.constant 9152 : i32
    %dma_wait3A_242 = tpu.memref_slice %arg5[%dma_wait3A_241] : memref<13312xi32, #tpu.memory_space<vmem>> -> memref<832xi32, #tpu.memory_space<vmem>>
    %dma_wait3A_243 = arith.constant 0 : i32
    %dma_wait3A_244 = arith.constant 0 : i32
    %dma_wait3A_245 = tpu.memref_slice %arg2[%dma_wait3A_243, %dma_wait3A_244] : memref<1007616x32xf32, #tpu.memory_space<hbm>> -> memref<1007616x32xf32, #tpu.memory_space<hbm>>
    tpu.wait_indirect_dma semaphore(%arg13 : memref<!tpu.dma_semaphore, #tpu.memory_space<semaphore_mem>>) src(%dma_wait3A_245 : memref<1007616x32xf32, #tpu.memory_space<hbm>>) dst(%arg9 : memref<832x32xf32, #tpu.memory_space<vmem>>)
    %add3A_246 = arith.constant 9152 : i32
    %add3A_247 = arith.addi %mul3A_2, %add3A_246 : i32
    %dma_start3A_248 = arith.constant 0 : i32
    %dma_start3A_249 = tpu.memref_slice %arg4[%add3A_247, %dma_start3A_248] : memref<425984x128xf32, #tpu.memory_space<hbm>> -> memref<832x32xf32, #tpu.memory_space<hbm>>
    %dma_start3A_250 = arith.constant 0 : i32
    %dma_start3A_251 = tpu.memref_slice %arg4[%add3A_247, %dma_start3A_250] : memref<425984x128xf32, #tpu.memory_space<hbm>> -> memref<832x32xf32, #tpu.memory_space<hbm>>
    tpu.enqueue_dma source(%arg9 : memref<832x32xf32, #tpu.memory_space<vmem>>) target(%dma_start3A_251 : memref<832x32xf32, #tpu.memory_space<hbm>>) target_semaphore(%arg17 : memref<!tpu.dma_semaphore, #tpu.memory_space<semaphore_mem>>)
    %dma_wait3A_252 = arith.constant 0 : i32
    %dma_wait3A_253 = tpu.memref_slice %arg4[%add3A_247, %dma_wait3A_252] : memref<425984x128xf32, #tpu.memory_space<hbm>> -> memref<832x32xf32, #tpu.memory_space<hbm>>
    %dma_wait3A_254 = arith.constant 0 : i32
    %dma_wait3A_255 = tpu.memref_slice %arg4[%add3A_247, %dma_wait3A_254] : memref<425984x128xf32, #tpu.memory_space<hbm>> -> memref<832x32xf32, #tpu.memory_space<hbm>>
    tpu.wait_dma2 semaphore(%arg17 : memref<!tpu.dma_semaphore, #tpu.memory_space<semaphore_mem>>) src(%arg9 : memref<832x32xf32, #tpu.memory_space<vmem>>) dst(%dma_wait3A_255 : memref<832x32xf32, #tpu.memory_space<hbm>>)
    %dma_start3A_256 = arith.constant 12480 : i32
    %dma_start3A_257 = tpu.memref_slice %arg5[%dma_start3A_256] : memref<13312xi32, #tpu.memory_space<vmem>> -> memref<832xi32, #tpu.memory_space<vmem>>
    %dma_start3A_258 = arith.constant 0 : i32
    %dma_start3A_259 = arith.constant 0 : i32
    %dma_start3A_260 = tpu.memref_slice %arg2[%dma_start3A_258, %dma_start3A_259] : memref<1007616x32xf32, #tpu.memory_space<hbm>> -> memref<1007616x32xf32, #tpu.memory_space<hbm>>
    tpu.enqueue_indirect_dma source(%dma_start3A_260 : memref<1007616x32xf32, #tpu.memory_space<hbm>>) target(%arg9 : memref<832x32xf32, #tpu.memory_space<vmem>>) offsets(%dma_start3A_257 : memref<832xi32, #tpu.memory_space<vmem>>) semaphore(%arg13 : memref<!tpu.dma_semaphore, #tpu.memory_space<semaphore_mem>>)
    %dma_wait3A_261 = arith.constant 9984 : i32
    %dma_wait3A_262 = tpu.memref_slice %arg5[%dma_wait3A_261] : memref<13312xi32, #tpu.memory_space<vmem>> -> memref<832xi32, #tpu.memory_space<vmem>>
    %dma_wait3A_263 = arith.constant 0 : i32
    %dma_wait3A_264 = arith.constant 0 : i32
    %dma_wait3A_265 = tpu.memref_slice %arg2[%dma_wait3A_263, %dma_wait3A_264] : memref<1007616x32xf32, #tpu.memory_space<hbm>> -> memref<1007616x32xf32, #tpu.memory_space<hbm>>
    tpu.wait_indirect_dma semaphore(%arg10 : memref<!tpu.dma_semaphore, #tpu.memory_space<semaphore_mem>>) src(%dma_wait3A_265 : memref<1007616x32xf32, #tpu.memory_space<hbm>>) dst(%arg6 : memref<832x32xf32, #tpu.memory_space<vmem>>)
    %add3A_266 = arith.constant 9984 : i32
    %add3A_267 = arith.addi %mul3A_2, %add3A_266 : i32
    %dma_start3A_268 = arith.constant 0 : i32
    %dma_start3A_269 = tpu.memref_slice %arg4[%add3A_267, %dma_start3A_268] : memref<425984x128xf32, #tpu.memory_space<hbm>> -> memref<832x32xf32, #tpu.memory_space<hbm>>
    %dma_start3A_270 = arith.constant 0 : i32
    %dma_start3A_271 = tpu.memref_slice %arg4[%add3A_267, %dma_start3A_270] : memref<425984x128xf32, #tpu.memory_space<hbm>> -> memref<832x32xf32, #tpu.memory_space<hbm>>
    tpu.enqueue_dma source(%arg6 : memref<832x32xf32, #tpu.memory_space<vmem>>) target(%dma_start3A_271 : memref<832x32xf32, #tpu.memory_space<hbm>>) target_semaphore(%arg14 : memref<!tpu.dma_semaphore, #tpu.memory_space<semaphore_mem>>)
    %dma_wait3A_272 = arith.constant 10816 : i32
    %dma_wait3A_273 = tpu.memref_slice %arg5[%dma_wait3A_272] : memref<13312xi32, #tpu.memory_space<vmem>> -> memref<832xi32, #tpu.memory_space<vmem>>
    %dma_wait3A_274 = arith.constant 0 : i32
    %dma_wait3A_275 = arith.constant 0 : i32
    %dma_wait3A_276 = tpu.memref_slice %arg2[%dma_wait3A_274, %dma_wait3A_275] : memref<1007616x32xf32, #tpu.memory_space<hbm>> -> memref<1007616x32xf32, #tpu.memory_space<hbm>>
    tpu.wait_indirect_dma semaphore(%arg11 : memref<!tpu.dma_semaphore, #tpu.memory_space<semaphore_mem>>) src(%dma_wait3A_276 : memref<1007616x32xf32, #tpu.memory_space<hbm>>) dst(%arg7 : memref<832x32xf32, #tpu.memory_space<vmem>>)
    %add3A_277 = arith.constant 10816 : i32
    %add3A_278 = arith.addi %mul3A_2, %add3A_277 : i32
    %dma_start3A_279 = arith.constant 0 : i32
    %dma_start3A_280 = tpu.memref_slice %arg4[%add3A_278, %dma_start3A_279] : memref<425984x128xf32, #tpu.memory_space<hbm>> -> memref<832x32xf32, #tpu.memory_space<hbm>>
    %dma_start3A_281 = arith.constant 0 : i32
    %dma_start3A_282 = tpu.memref_slice %arg4[%add3A_278, %dma_start3A_281] : memref<425984x128xf32, #tpu.memory_space<hbm>> -> memref<832x32xf32, #tpu.memory_space<hbm>>
    tpu.enqueue_dma source(%arg7 : memref<832x32xf32, #tpu.memory_space<vmem>>) target(%dma_start3A_282 : memref<832x32xf32, #tpu.memory_space<hbm>>) target_semaphore(%arg15 : memref<!tpu.dma_semaphore, #tpu.memory_space<semaphore_mem>>)
    %dma_wait3A_283 = arith.constant 11648 : i32
    %dma_wait3A_284 = tpu.memref_slice %arg5[%dma_wait3A_283] : memref<13312xi32, #tpu.memory_space<vmem>> -> memref<832xi32, #tpu.memory_space<vmem>>
    %dma_wait3A_285 = arith.constant 0 : i32
    %dma_wait3A_286 = arith.constant 0 : i32
    %dma_wait3A_287 = tpu.memref_slice %arg2[%dma_wait3A_285, %dma_wait3A_286] : memref<1007616x32xf32, #tpu.memory_space<hbm>> -> memref<1007616x32xf32, #tpu.memory_space<hbm>>
    tpu.wait_indirect_dma semaphore(%arg12 : memref<!tpu.dma_semaphore, #tpu.memory_space<semaphore_mem>>) src(%dma_wait3A_287 : memref<1007616x32xf32, #tpu.memory_space<hbm>>) dst(%arg8 : memref<832x32xf32, #tpu.memory_space<vmem>>)
    %add3A_288 = arith.constant 11648 : i32
    %add3A_289 = arith.addi %mul3A_2, %add3A_288 : i32
    %dma_start3A_290 = arith.constant 0 : i32
    %dma_start3A_291 = tpu.memref_slice %arg4[%add3A_289, %dma_start3A_290] : memref<425984x128xf32, #tpu.memory_space<hbm>> -> memref<832x32xf32, #tpu.memory_space<hbm>>
    %dma_start3A_292 = arith.constant 0 : i32
    %dma_start3A_293 = tpu.memref_slice %arg4[%add3A_289, %dma_start3A_292] : memref<425984x128xf32, #tpu.memory_space<hbm>> -> memref<832x32xf32, #tpu.memory_space<hbm>>
    tpu.enqueue_dma source(%arg8 : memref<832x32xf32, #tpu.memory_space<vmem>>) target(%dma_start3A_293 : memref<832x32xf32, #tpu.memory_space<hbm>>) target_semaphore(%arg16 : memref<!tpu.dma_semaphore, #tpu.memory_space<semaphore_mem>>)
    %dma_wait3A_294 = arith.constant 12480 : i32
    %dma_wait3A_295 = tpu.memref_slice %arg5[%dma_wait3A_294] : memref<13312xi32, #tpu.memory_space<vmem>> -> memref<832xi32, #tpu.memory_space<vmem>>
    %dma_wait3A_296 = arith.constant 0 : i32
    %dma_wait3A_297 = arith.constant 0 : i32
    %dma_wait3A_298 = tpu.memref_slice %arg2[%dma_wait3A_296, %dma_wait3A_297] : memref<1007616x32xf32, #tpu.memory_space<hbm>> -> memref<1007616x32xf32, #tpu.memory_space<hbm>>
    tpu.wait_indirect_dma semaphore(%arg13 : memref<!tpu.dma_semaphore, #tpu.memory_space<semaphore_mem>>) src(%dma_wait3A_298 : memref<1007616x32xf32, #tpu.memory_space<hbm>>) dst(%arg9 : memref<832x32xf32, #tpu.memory_space<vmem>>)
    %add3A_299 = arith.constant 12480 : i32
    %add3A_300 = arith.addi %mul3A_2, %add3A_299 : i32
    %dma_start3A_301 = arith.constant 0 : i32
    %dma_start3A_302 = tpu.memref_slice %arg4[%add3A_300, %dma_start3A_301] : memref<425984x128xf32, #tpu.memory_space<hbm>> -> memref<832x32xf32, #tpu.memory_space<hbm>>
    %dma_start3A_303 = arith.constant 0 : i32
    %dma_start3A_304 = tpu.memref_slice %arg4[%add3A_300, %dma_start3A_303] : memref<425984x128xf32, #tpu.memory_space<hbm>> -> memref<832x32xf32, #tpu.memory_space<hbm>>
    tpu.enqueue_dma source(%arg9 : memref<832x32xf32, #tpu.memory_space<vmem>>) target(%dma_start3A_304 : memref<832x32xf32, #tpu.memory_space<hbm>>) target_semaphore(%arg17 : memref<!tpu.dma_semaphore, #tpu.memory_space<semaphore_mem>>)
    %dma_wait3A_305 = arith.constant 0 : i32
    %dma_wait3A_306 = tpu.memref_slice %arg4[%add3A_267, %dma_wait3A_305] : memref<425984x128xf32, #tpu.memory_space<hbm>> -> memref<832x32xf32, #tpu.memory_space<hbm>>
    %dma_wait3A_307 = arith.constant 0 : i32
    %dma_wait3A_308 = tpu.memref_slice %arg4[%add3A_267, %dma_wait3A_307] : memref<425984x128xf32, #tpu.memory_space<hbm>> -> memref<832x32xf32, #tpu.memory_space<hbm>>
    tpu.wait_dma2 semaphore(%arg14 : memref<!tpu.dma_semaphore, #tpu.memory_space<semaphore_mem>>) src(%arg6 : memref<832x32xf32, #tpu.memory_space<vmem>>) dst(%dma_wait3A_308 : memref<832x32xf32, #tpu.memory_space<hbm>>)
    %dma_wait3A_309 = arith.constant 0 : i32
    %dma_wait3A_310 = tpu.memref_slice %arg4[%add3A_278, %dma_wait3A_309] : memref<425984x128xf32, #tpu.memory_space<hbm>> -> memref<832x32xf32, #tpu.memory_space<hbm>>
    %dma_wait3A_311 = arith.constant 0 : i32
    %dma_wait3A_312 = tpu.memref_slice %arg4[%add3A_278, %dma_wait3A_311] : memref<425984x128xf32, #tpu.memory_space<hbm>> -> memref<832x32xf32, #tpu.memory_space<hbm>>
    tpu.wait_dma2 semaphore(%arg15 : memref<!tpu.dma_semaphore, #tpu.memory_space<semaphore_mem>>) src(%arg7 : memref<832x32xf32, #tpu.memory_space<vmem>>) dst(%dma_wait3A_312 : memref<832x32xf32, #tpu.memory_space<hbm>>)
    %dma_wait3A_313 = arith.constant 0 : i32
    %dma_wait3A_314 = tpu.memref_slice %arg4[%add3A_289, %dma_wait3A_313] : memref<425984x128xf32, #tpu.memory_space<hbm>> -> memref<832x32xf32, #tpu.memory_space<hbm>>
    %dma_wait3A_315 = arith.constant 0 : i32
    %dma_wait3A_316 = tpu.memref_slice %arg4[%add3A_289, %dma_wait3A_315] : memref<425984x128xf32, #tpu.memory_space<hbm>> -> memref<832x32xf32, #tpu.memory_space<hbm>>
    tpu.wait_dma2 semaphore(%arg16 : memref<!tpu.dma_semaphore, #tpu.memory_space<semaphore_mem>>) src(%arg8 : memref<832x32xf32, #tpu.memory_space<vmem>>) dst(%dma_wait3A_316 : memref<832x32xf32, #tpu.memory_space<hbm>>)
    %dma_wait3A_317 = arith.constant 0 : i32
    %dma_wait3A_318 = tpu.memref_slice %arg4[%add3A_300, %dma_wait3A_317] : memref<425984x128xf32, #tpu.memory_space<hbm>> -> memref<832x32xf32, #tpu.memory_space<hbm>>
    %dma_wait3A_319 = arith.constant 0 : i32
    %dma_wait3A_320 = tpu.memref_slice %arg4[%add3A_300, %dma_wait3A_319] : memref<425984x128xf32, #tpu.memory_space<hbm>> -> memref<832x32xf32, #tpu.memory_space<hbm>>
    tpu.wait_dma2 semaphore(%arg17 : memref<!tpu.dma_semaphore, #tpu.memory_space<semaphore_mem>>) src(%arg9 : memref<832x32xf32, #tpu.memory_space<vmem>>) dst(%dma_wait3A_320 : memref<832x32xf32, #tpu.memory_space<hbm>>)
    return
  }
}

module attributes {stable_mosaic.version = 14 : i64} {
  func.func @_repack_body(%arg0: i32, %arg1: memref<32x8192xf32, #tpu.memory_space<vmem>>, %arg2: memref<2048x128xf32, #tpu.memory_space<vmem>>) attributes {dimension_semantics = [#tpu.dimension_semantics<arbitrary>], iteration_bounds = array<i64: 123>, scalar_prefetch = 0 : i64, scratch_operands = 0 : i64, tpu.core_type = #tpu.core_type<tc>, window_params = [{transform_indices = @transform_0, window_bounds = array<i64: 32, 8192>}, {transform_indices = @transform_1, window_bounds = array<i64: 2048, 128>}]} {
    %get3A = arith.constant 0 : index
    %get3A_0 = arith.constant 0 : index
    %get3A_1 = vector.load %arg1[%get3A, %get3A_0] : memref<32x8192xf32, #tpu.memory_space<vmem>>, vector<32x8192xf32>
    %transpose3A = tpu.transpose %get3A_1, [1, 0] : vector<32x8192xf32> -> vector<8192x32xf32>
    %slice3A = vector.extract_strided_slice %transpose3A {offsets = [0, 0], sizes = [2048, 32], strides = [1, 1]} : vector<8192x32xf32> to vector<2048x32xf32>
    %slice3A_2 = vector.extract_strided_slice %transpose3A {offsets = [2048, 0], sizes = [2048, 32], strides = [1, 1]} : vector<8192x32xf32> to vector<2048x32xf32>
    %slice3A_3 = vector.extract_strided_slice %transpose3A {offsets = [4096, 0], sizes = [2048, 32], strides = [1, 1]} : vector<8192x32xf32> to vector<2048x32xf32>
    %slice3A_4 = vector.extract_strided_slice %transpose3A {offsets = [6144, 0], sizes = [2048, 32], strides = [1, 1]} : vector<8192x32xf32> to vector<2048x32xf32>
    %concatenate3A = tpu.concatenate %slice3A, %slice3A_2, %slice3A_3, %slice3A_4 in 1 : vector<2048x32xf32>, vector<2048x32xf32>, vector<2048x32xf32>, vector<2048x32xf32> -> vector<2048x128xf32>
    %swap3A = arith.constant 0 : index
    %swap3A_5 = arith.constant 0 : index
    %swap3A_6 = vector.load %arg2[%swap3A, %swap3A_5] : memref<2048x128xf32, #tpu.memory_space<vmem>>, vector<2048x128xf32>
    tpu.vector_store %arg2[%swap3A, %swap3A_5], %concatenate3A {strides = array<i32>} : memref<2048x128xf32, #tpu.memory_space<vmem>>, vector<2048x128xf32>,
    return
  }
  func.func @transform_0(%arg0: i32) -> (i32, i32) {
    %c0_i32 = arith.constant 0 : i32
    %c0_i32_0 = arith.constant 0 : i32
    return %c0_i32, %arg0 : i32, i32
  }
  func.func @transform_1(%arg0: i32) -> (i32, i32) {
    %c0_i32 = arith.constant 0 : i32
    %c0_i32_0 = arith.constant 0 : i32
    return %arg0, %c0_i32 : i32, i32
  }
}

</mosaic_0001>

<sc_bundles>
// kernel: kernel.4.cloned.1.call-start
scs
__scs_entry_jumppad:
0x0: {  	(pc) =	sbr.rel $0x88, $3  }
0x1: {  	(tag) =	ssettag $0x0;
	lr =	simm.s32 $0x1  }
0x2: {  	[smem:$0x3F9F] =	sst lr;
	_ =	strace $0xD0000000  }
0x3: {  	_ = 	snop  }
0x4: {  	_ = 	snop  }
0x5: {  	_ = 	snop  }
0x6: {  	_ = 	snop  }
0x7: {  	_ = 	snop  }
__scs_overlays_trampoline_lowered:
0x8: {  	[smem:$0x3FAE] =	sst s0  }
0x9: {  	[smem:$0x3FAF] =	sst s1  }
0xa: {  	[smem:$0x3FB0] =	sst s2  }
0xb: {  	[smem:$0x3FB1] =	sst s3  }
0xc: {  	[smem:$0x3FB2] =	sst s4  }
0xd: {  	[smem:$0x3FB3] =	sst s5  }
0xe: {  	[smem:$0x3FB4] =	sst s6  }
0xf: {  	[smem:$0x3FB5] =	sst s7  }
0x10: {  	[smem:$0x3FB6] =	sst s8  }
0x11: {  	[smem:$0x3FB7] =	sst s9;
	s0 =	simm.s32 @!p0 $0x0  }
0x12: {  	s1 =	sld [smem:$0x3F9D];
	s0 =	simm.s32 @p0 $0x1  }
0x13: {  	[smem:$0x3FB8] =	sst s0;
	s0 =	simm.s32 @!p1 $0x0  }
0x14: {  	s2 =	sld [smem:$0x3F9C];
	s0 =	simm.s32 @p1 $0x1  }
0x15: {  	[smem:$0x3FB9] =	sst s0;
	s0 =	simm.s32 @!p2 $0x0  }
0x16: {  	s3 =	sld [smem:$0x3FDB];
	s0 =	simm.s32 @p2 $0x1  }
0x17: {  	s4 =	simm.s32 $0x1BF5;
	[smem:$0x3FBB] =	sst s0  }
0x18: {  	s0 =	sld [smem:$0x3F9E];
	_ =	swait.ge [sflag:s4], $0x0  }
0x19: {  	s7 =	sld [smem:$0x3F9F]  }
0x1a: {  	s8 =	sadd.s32 $0xFFFFE003, lr  }
0x1b: {  	s9 =	sadd.s32 $0xFFFFFEF7, lr;
	s5 =	simm.s32 $0xFFFFFFFF;
	p2 =	slt.u32 s8, $0xFFFFF086  }
0x1c: {  	p1 =	slt.u32 s9, $0xF7A;
	s5 =	simm.s32 @!p2 $0x0  }
0x1d: {  	s5 =	simm.s32 @p1 $0x1;
	p0 =	seq.s32 s7, s2  }
0x1e: {  	s7 =	smul.u32 @!p0 $0xF7A, s2;
	p2 =	seq.s32 @!p0 s5, $0x0  }
0x1f: {  	s9 =	smul.u32 $0xF7A, s1;
	s8 =	simm.s32 @!p0 $0x1BF5;
	p2 =	por !p2, p0  }
0x20: {  	[sflag:s8] =	ssyncset.s32 @!p0 $0xFFFFF086;
	s6 =	sadd.s32 @!p0 s3, s7;
	s7 =	simm.s32 @!p0 $0x108  }
0x21: {  	s3 =	sadd.s32 s3, s9;
	s6 =	sadd.s32 @!p0 $0x88, s6;
	s7 =	simm.s32 @p2 $0x1082  }
0x22: {  	[simem:s7], [sflag:s8] =	dma.local @!p0 [hbm:s6], $0xF7A  }
0x23: {  	s9 =	sor.u32 $0xD0000000, s2;
	s6 =	simm.s32 $0x108;
	_ =	swait.ge @!p0 [sflag:s8], $0x0  }
0x24: {  	s3 =	sadd.s32 $0x88, s3;
	s6 =	simm.s32 @!p1 $0x1082;
	[sflag:s4] =	ssyncset.s32 $0xFFFFF086  }
0x25: {  	[simem:s6], [sflag:s4] =	dma.local [hbm:s3], $0xF7A  }
0x26: {  	[smem:$0x3F9F] =	sst s1;
	(tag) =	ssettag s2;
	_ =	strace s9  }
0x27: {  	s1 =	sld [smem:$0x3FAF]  }
0x28: {  	s2 =	sld [smem:$0x3FB0]  }
0x29: {  	s4 =	sld [smem:$0x3FB2]  }
0x2a: {  	p0 =	seq.s32 s5, $0x0;
	s5 =	sld [smem:$0x3FB3]  }
0x2b: {  	s6 =	sld [smem:$0x3FB4]  }
0x2c: {  	s7 =	sld [smem:$0x3FB5]  }
0x2d: {  	s3 =	simm.s32 $0x108;
	s8 =	sld [smem:$0x3FB6]  }
0x2e: {  	s3 =	simm.s32 @!p0 $0x1082;
	s9 =	sld [smem:$0x3FB7]  }
0x2f: {  	lr =	sadd.s32 s0, s3;
	s0 =	sld [smem:$0x3FAE]  }
0x30: {  	s3 =	sld [smem:$0x3FB1]  }
0x31: {  	[smem:$0x3FBA] =	sst s10  }
0x32: {  	s10 =	sld [smem:$0x3FB8];
	_ =	sdelay $0x3  }
0x33: {  	p0 =	seq.s32 s10, $0x1;
	s10 =	sld [smem:$0x3FBA];
	_ =	sdelay $0x3  }
0x34: {  	[smem:$0x3FBA] =	sst s10  }
0x35: {  	s10 =	sld [smem:$0x3FB9];
	_ =	sdelay $0x3  }
0x36: {  	p1 =	seq.s32 s10, $0x1;
	s10 =	sld [smem:$0x3FBA];
	_ =	sdelay $0x3  }
0x37: {  	[smem:$0x3FBA] =	sst s10  }
0x38: {  	s10 =	sld [smem:$0x3FBB]  }
0x39: {  	_ = 	snop;
	(pc) =	sbr.ind lr, $3  }
0x3a: {  	_ = 	snop  }
0x3b: {  	_ = 	snop  }
0x3c: {  	p2 =	seq.s32 s10, $0x1;
	s10 =	sld [smem:$0x3FBA]  }
0x3d: {  	_ =	shalt  }
0x3e: {  	_ =	shalt  }
0x3f: {  	_ =	shalt  }
0x40: {  	_ =	shalt  }
0x41: {  	_ =	shalt  }
0x42: {  	_ =	shalt  }
0x43: {  	_ =	shalt  }
0x44: {  	_ =	shalt  }
0x45: {  	_ =	shalt  }
0x46: {  	_ =	shalt  }
0x47: {  	_ =	shalt  }
0x48: {  	_ =	shalt  }
0x49: {  	_ =	shalt  }
0x4a: {  	_ =	shalt  }
0x4b: {  	_ =	shalt  }
0x4c: {  	_ =	shalt  }
0x4d: {  	_ =	shalt  }
0x4e: {  	_ =	shalt  }
0x4f: {  	_ =	shalt  }
0x50: {  	_ =	shalt  }
0x51: {  	_ =	shalt  }
0x52: {  	_ =	shalt  }
0x53: {  	_ =	shalt  }
0x54: {  	_ =	shalt  }
0x55: {  	_ =	shalt  }
0x56: {  	_ =	shalt  }
0x57: {  	_ =	shalt  }
0x58: {  	_ =	shalt  }
0x59: {  	_ =	shalt  }
0x5a: {  	_ =	shalt  }
0x5b: {  	_ =	shalt  }
0x5c: {  	_ =	shalt  }
0x5d: {  	_ =	shalt  }
0x5e: {  	_ =	shalt  }
0x5f: {  	_ =	shalt  }
0x60: {  	_ =	shalt  }
0x61: {  	_ =	shalt  }
0x62: {  	_ =	shalt  }
0x63: {  	_ =	shalt  }
0x64: {  	_ =	shalt  }
0x65: {  	_ =	shalt  }
0x66: {  	_ =	shalt  }
0x67: {  	_ =	shalt  }
0x68: {  	_ =	shalt  }
0x69: {  	_ =	shalt  }
0x6a: {  	_ =	shalt  }
0x6b: {  	_ =	shalt  }
0x6c: {  	_ =	shalt  }
0x6d: {  	_ =	shalt  }
0x6e: {  	_ =	shalt  }
0x6f: {  	_ =	shalt  }
0x70: {  	_ =	shalt  }
0x71: {  	_ =	shalt  }
0x72: {  	_ =	shalt  }
0x73: {  	_ =	shalt  }
0x74: {  	_ =	shalt  }
0x75: {  	_ =	shalt  }
0x76: {  	_ =	shalt  }
0x77: {  	_ =	shalt  }
0x78: {  	_ =	shalt  }
0x79: {  	_ =	shalt  }
0x7a: {  	_ =	shalt  }
0x7b: {  	_ =	shalt  }
0x7c: {  	_ =	shalt  }
0x7d: {  	_ =	shalt  }
0x7e: {  	_ =	shalt  }
0x7f: {  	_ =	shalt  }
0x80: {  	_ =	shalt  }
0x81: {  	_ =	shalt  }
0x82: {  	_ =	shalt  }
0x83: {  	_ =	shalt  }
0x84: {  	_ =	shalt  }
0x85: {  	_ =	shalt  }
0x86: {  	_ =	shalt  }
0x87: {  	_ =	shalt  }
.Lfunc_end0:
.L_simem_size_0:
called_computation.1_lowered:
.L_overlay_start_0:
0x88: {  	s2 =	sld [smem:$0x3FD9]  }
0x89: {  	s3 =	sld [smem:$0x3FFE];
	_ =	sdelay $0x1  }
0x8a: {  	s1 =	srdreg.scid  }
0x8b: {  	s0 =	sand.u32 $0x1, s1  }
0x8c: {  	s17 =	sshll.u32 s0, $0xA;
	s2 =	sadd.s32 s3, s2  }
0x8d: {  	s2 =	sadd.s32 s2, s17  }
0x8e: {  	[smem:$0x3FC6] =	sst s2  }
0x8f: {  	_ = 	snop  }
0x90: {  	s2 =	sld [smem:$0x3FD0];
	(tm) =	ssettm $0x1  }
0x91: {  	s18 =	sld [smem:$0x3FFB];
	_ =	sdelay $0x3  }
0x92: {  	_ =	strace s18  }
0x93: {  	s3 =	sld [smem:$0x3FFC];
	_ =	sdelay $0x3  }
0x94: {  	_ =	strace s3  }
0x95: {  	s3 =	sld [smem:$0x3FFD];
	_ =	sdelay $0x3  }
0x96: {  	_ =	strace s3  }
0x97: {  	_ =	strace $0x8FFFFFFF  }
0x98: {  	s19 =	sld [smem:$0x3FDB];
	_ =	sdelay $0x1  }
0x99: {  	s4 =	simm.s32 $_scs_section_size  }
0x9a: {  	s5 =	simm.s32 $_size__tile_overlayer_lowered;
	s6 =	simm.s32 $_tile_overlayer_lowered  }
0x9b: {  	s22 =	simm.s32 $0x1BFF;
	s21 =	sshll.u32 s6, $0x1;
	s3 =	sadd.s32 s4, s19  }
0x9c: {  	s7 =	simm.s32 $0x0;
	s20 =	sshll.u32 s5, $0x1;
	s5 =	sadd.s32 s21, s3  }
0x9d: {  	[timem:s7], [sflag:s22] =	dma.local [hbm:s5], s20  }
0x9e: {  	_ =	swait.ge [sflag:s22], s20  }
0x9f: {  	s4 =	ssub.s32 $0x0, s20;
	[sflag:s22] =	ssyncset.done $0x0  }
0xa0: {  	[sflag:s22] =	ssyncadd.s32 s4;
	_ =	sdelay $0x1  }
0xa1: {  	s23 =	simm.s32 $0x1B8B  }
0xa2: {  	_ =	swait.ge [sflag:s23], $0x1  }
0xa3: {  	[sflag:s23] =	ssyncset.done $0x0  }
0xa4: {  	s25 =	simm.s32 $0x1B8E;
	s24 =	sld [smem:$0x3FFE];
	[sflag:s23] =	ssyncadd.s32 $0xFFFFFFFF  }
0xa5: {  	s26 =	simm.s32 $execute0_lowered;
	[smem:$0x3FD2] =	sst s25  }
0xa6: {  	s5 =	sshll.u32 s26, $0x1;
	_ =	strace $0x80000046;
	[dreg:$0x1] =	wrdreg $0xFFFFFFFF  }
0xa7: {  	s28 =	simm.s32 $_size_execute0_lowered;
	s3 =	sadd.s32 s3, s5;
	[dreg:$0x0] =	wrdreg $0x0  }
0xa8: {  	s5 =	sshll.u32 s28, $0x1;
	[dreg:$0x2] =	wrdreg s3  }
0xa9: {  	[dreg:$0x3] =	wrdreg s5  }
0xaa: {  	[dreg:$0x4] =	wrdreg $0xC0  }
0xab: {  	_ =	task [dreg:s7], $0x5FFFF  }
0xac: {  	[dreg:$0x1] =	wrdreg $0xFFFFFFFF  }
0xad: {  	[dreg:$0x0] =	wrdreg $0x60  }
0xae: {  	[dreg:$0x2] =	wrdreg s24  }
0xaf: {  	[dreg:$0x3] =	wrdreg s2  }
0xb0: {  	[dreg:$0x4] =	wrdreg $0x9  }
0xb1: {  	_ =	task.clear_ibuf [dreg:s7], $0x5FFFF;
	_ =	strace $0x90000046  }
0xb2: {  	s29 =	simm.s32 $0x9;
	_ =	strace $0x80000048  }
0xb3: {  	_ =	swait.ge [sflag:s29], $0x1  }
0xb4: {  	[sflag:s29] =	ssyncadd.s32 $0xFFFFFFFF  }
0xb5: {  	_ =	strace $0x90000048  }
0xb6: {  	_ =	sfence  }
0xb7: {  	s30 =	sld [smem:$0x0];
	_ =	sdelay $0x2  }
0xb8: {  	s31 =	sshll.u32 s1, $0xD;
	s1 =	sshrl.u32 s1, $0x2  }
0xb9: {  	s3 =	sand.u32 $0x4000, s31;
	s1 =	sadd.s32 s1, s30  }
0xba: {  	s0 =	sor.u32 s3, s0;
	s1 =	sshll.u32 s1, $0x11  }
0xbb: {  	s0 =	sor.u32 s1, s0  }
0xbc: {  	s0 =	sadd.s32 $0x8F2B, s0  }
0xbd: {  	[sflag:s0] =	ssyncadd.remote.s32 $0x1  }
0xbe: {  	_ =	sfence.sel $0xFFFF  }
0xbf: {  	[dreg:$0x0] =	wrdreg $0xFFFFFFFF;
	(pc) =	sbr.abs _section_cstart, $3  }
0xc0: {  	[dreg:$0x1] =	wrdreg $0xFFFFFFFF  }
0xc1: {  	_ =	task.clear_ibuf [dreg:s7], $0x2FFFF;
	_ =	strace $0x9FFFFFFF  }
0xc2: {  	(tm) =	ssettm $0x7FFFFFFF  }
0xc3: {  	_ =	shalt  }
tec
execute0_lowered:
.L_overlay_start_1:
0x0: {  	(tag) =	ssettag $0x1  }
0x1: {  	s0 =	srdreg.scid;
	s2 =	rddreg [dreg:$0x0]  }
0x2: {  	s18 =	stileid.u32;
	s3 =	rddreg [dreg:$0x1];
	s23 =	simm.s32 $0x0  }
0x3: {  	s31 =	simm.s32 $0x9;
	s21 =	simm.s32 $0x680;
	s24 =	simm.s32 $0x9C0  }
0x4: {  	s25 =	simm.s32 $0xD00;
	s0 =	sand.u32 $0x1, s0;
	s1 =	sshll.u32 s18, $0x1  }
0x5: {  	s26 =	simm.s32 $0x1040;
	[smem:$0x7FF] =	sst s23;
	s1 =	sor.u32 s0, s1  }
0x6: {  	_ =	strace $0x80000047;
	[dreg:$0x13] =	wrdreg s21;
	s4 =	smul.u32 $0x680, s1  }
0x7: {  	s30 =	simm.s32 $0x16C0;
	[dreg:$0x14] =	wrdreg s24;
	s5 =	smul.u32 $0x34000, s1  }
0x8: {  	s29 =	simm.s32 $0x1A00;
	[dreg:$0x15] =	wrdreg s25;
	s1 =	smul.u32 $0x1A0000, s1  }
0x9: {  	s28 =	simm.s32 $0x1D40;
	s6 =	sadd.s32 $0x3D8800, s2;
	[dreg:$0x16] =	wrdreg s26  }
0xa: {  	s3 =	sadd.s32 s3, s4;
	s22 =	sadd.s32 s6, s5;
	s1 =	sshrl.u32 s1, $0x3  }
0xb: {  	[dreg:$0x3] =	wrdreg s3;
	s5 =	sadd.s32 $0x3400, s22;
	s1 =	sadd.s32 s6, s1  }
0xc: {  	p0 =	por $0x0, $0x0;
	[dreg:$0x4] =	wrdreg s5;
	s6 =	sadd.s32 $0x6800, s1  }
0xd: {  	s0 =	ssub.s32 $0x2, s0;
	s7 =	sadd.s32 $0x9C00, s1;
	[dreg:$0x5] =	wrdreg s6  }
0xe: {  	s26 =	simm.s32 $0x2080;
	s8 =	sadd.s32 $0xD000, s1;
	[dreg:$0x6] =	wrdreg s7  }
0xf: {  	s25 =	simm.s32 $0x23C0;
	s9 =	sadd.s32 $0x10400, s1;
	[dreg:$0x7] =	wrdreg s8  }
0x10: {  	s24 =	simm.s32 $0x2700;
	s10 =	sadd.s32 $0x13800, s1;
	[dreg:$0x8] =	wrdreg s9  }
0x11: {  	s21 =	simm.s32 $0x2A40;
	s11 =	sadd.s32 $0x16C00, s1;
	[dreg:$0x9] =	wrdreg s10  }
0x12: {  	s20 =	sshrl.u32 s0, $0x1;
	s12 =	sadd.s32 $0x1A000, s1;
	[dreg:$0xa] =	wrdreg s11  }
0x13: {  	s0 =	ssub.s32 s0, s20;
	s13 =	sadd.s32 $0x1D400, s1;
	[dreg:$0xb] =	wrdreg s12  }
0x14: {  	s20 =	simm.s32 $0x2D80;
	s14 =	sadd.s32 $0x20800, s1;
	[dreg:$0xc] =	wrdreg s13  }
0x15: {  	s0 =	smax.u32 s0, $0x1;
	s15 =	sadd.s32 $0x23C00, s1;
	[dreg:$0xd] =	wrdreg s14  }
0x16: {  	s4 =	simm.s32 $0x20;
	s16 =	sadd.s32 $0x27000, s1;
	[dreg:$0xe] =	wrdreg s15  }
0x17: {  	s3 =	simm.s32 $0x10400;
	s17 =	sadd.s32 $0x2A400, s1;
	[dreg:$0xf] =	wrdreg s16  }
0x18: {  	p1 =	sne.s32 s0, $0x1;
	s19 =	sadd.s32 $0x2D800, s1;
	[dreg:$0x10] =	wrdreg s17  }
0x19: {  	s1 =	sadd.s32 $0x30C00, s1;
	s5 =	simm.s32 $0x5;
	[dreg:$0x11] =	wrdreg s19  }
0x1a: {  	s11 =	sadd.s32 $0x800, s2;
	[dreg:$0x12] =	wrdreg s1;
	s13 =	simm.s32 $0x340  }
.Ltmp0:
0x1b: {  	s12 =	simm.s32 $0x3400;
	s10 =	simm.s32 $0x9C00;
	(pc) =	sbr.rel @!p1 .LBB2_1-.Ltmp0, $4  }
0x1c: {  	s2 =	simm.s32 $0x16C00;
	s15 =	simm.s32 $0x1;
	s6 =	simm.s32 $0x80  }
0x1d: {  	s17 =	simm.s32 $0x2;
	s7 =	simm.s32 $0x6;
	s16 =	simm.s32 $0x3  }
0x1e: {  	s8 =	simm.s32 $0x7;
	s14 =	simm.s32 $0x4;
	s9 =	simm.s32 $0x8  }
0x1f: {  	s1 =	sadd.s32 $0xFFFFFFFF, s0;
	s19 =	simm.s32 $0x30C0;
	s0 =	rddreg [dreg:$0x3]  }
0x20: {  	[tilespmem:s23], [sflag:$0x9] =	stream.linear.gather [hbm4b:s0+s23], $0x3400, $0x38;
	[tilespmem:$0x1D400] =	vst v63  }
0x21: {  	_ =	swait.ge [sflag:s31], $0x3400  }
0x22: {  	[sflag:s31] =	ssyncset.done $0x0  }
0x23: {  	[sflag:s31] =	ssyncadd.s32 $0xFFFFCC00  }
0x24: {  	[tilespmem:s12], [sflag:$0x1] =	stream.indirect.gather [hbm4b:s11+s13], $0x20, s23, s13, $0xb8;
	[tilespmem:$0x1D400] =	vst v63  }
0x25: {  	_ = 	snop  }
0x26: {  	[tilespmem:s10], [sflag:$0x2] =	stream.indirect.gather [hbm4b:s11+s13], $0x20, s13, s13, $0xb8;
	[tilespmem:$0x1D400] =	vst v63  }
0x27: {  	s0 =	rddreg [dreg:$0x13]  }
0x28: {  	[tilespmem:s3], [sflag:$0x3] =	stream.indirect.gather [hbm4b:s11+s13], $0x20, s0, s13, $0xb8;
	[tilespmem:$0x1D400] =	vst v63  }
0x29: {  	s18 =	smov.u32 s1;
	s1 =	rddreg [dreg:$0x14]  }
0x2a: {  	[tilespmem:s2], [sflag:$0x4] =	stream.indirect.gather [hbm4b:s11+s13], $0x20, s1, s13, $0xb8;
	[tilespmem:$0x1D400] =	vst v63  }
0x2b: {  	_ =	swait.ge [sflag:s15], $0x6800  }
0x2c: {  	[sflag:s15] =	ssyncset.done $0x0  }
0x2d: {  	[sflag:s15] =	ssyncadd.s32 $0xFFFF9800  }
0x2e: {  	[hbm4b:s22+s4] =	stream.strided.scatter [tilespmem:s12], [sflag:$0x5], $0x6800, s6, s4, $0x38;
	[tilespmem:$0x1D400] =	vst v63  }
0x2f: {  	_ =	swait.ge [sflag:s5], $0x6800  }
0x30: {  	[sflag:s5] =	ssyncset.done $0x0  }
0x31: {  	s1 =	rddreg [dreg:$0x15];
	[sflag:s5] =	ssyncadd.s32 $0xFFFF9800  }
0x32: {  	[tilespmem:s12], [sflag:$0x1] =	stream.indirect.gather [hbm4b:s11+s13], $0x20, s1, s13, $0xb8;
	[tilespmem:$0x1D400] =	vst v63  }
0x33: {  	_ =	swait.ge [sflag:s17], $0x6800  }
0x34: {  	[sflag:s17] =	ssyncset.done $0x0  }
0x35: {  	s1 =	rddreg [dreg:$0x4];
	[sflag:s17] =	ssyncadd.s32 $0xFFFF9800  }
0x36: {  	[hbm4b:s1+s4] =	stream.strided.scatter [tilespmem:s10], [sflag:$0x6], $0x6800, s6, s4, $0x38;
	[tilespmem:$0x1D400] =	vst v63  }
0x37: {  	_ =	swait.ge [sflag:s7], $0x6800  }
0x38: {  	[sflag:s7] =	ssyncset.done $0x0  }
0x39: {  	s1 =	rddreg [dreg:$0x16];
	[sflag:s7] =	ssyncadd.s32 $0xFFFF9800  }
0x3a: {  	[tilespmem:s10], [sflag:$0x2] =	stream.indirect.gather [hbm4b:s11+s13], $0x20, s1, s13, $0xb8;
	[tilespmem:$0x1D400] =	vst v63  }
0x3b: {  	_ =	swait.ge [sflag:s16], $0x6800  }
0x3c: {  	[sflag:s16] =	ssyncset.done $0x0  }
0x3d: {  	s1 =	rddreg [dreg:$0x5];
	[sflag:s16] =	ssyncadd.s32 $0xFFFF9800  }
0x3e: {  	[hbm4b:s1+s4] =	stream.strided.scatter [tilespmem:s3], [sflag:$0x7], $0x6800, s6, s4, $0x38;
	[tilespmem:$0x1D400] =	vst v63  }
0x3f: {  	_ =	swait.ge [sflag:s8], $0x6800  }
0x40: {  	[sflag:s8] =	ssyncset.done $0x0  }
0x41: {  	s1 =	simm.s32 $0x1380;
	[sflag:s8] =	ssyncadd.s32 $0xFFFF9800  }
0x42: {  	[tilespmem:s3], [sflag:$0x3] =	stream.indirect.gather [hbm4b:s11+s13], $0x20, s1, s13, $0xb8;
	[tilespmem:$0x1D400] =	vst v63  }
0x43: {  	_ =	swait.ge [sflag:s14], $0x6800  }
0x44: {  	[sflag:s14] =	ssyncset.done $0x0  }
0x45: {  	s1 =	rddreg [dreg:$0x6];
	[sflag:s14] =	ssyncadd.s32 $0xFFFF9800  }
0x46: {  	[hbm4b:s1+s4] =	stream.strided.scatter [tilespmem:s2], [sflag:$0x8], $0x6800, s6, s4, $0x38;
	[tilespmem:$0x1D400] =	vst v63  }
0x47: {  	_ =	swait.ge [sflag:s9], $0x6800  }
0x48: {  	[sflag:s9] =	ssyncset.done $0x0  }
0x49: {  	[sflag:s9] =	ssyncadd.s32 $0xFFFF9800  }
0x4a: {  	[tilespmem:s2], [sflag:$0x4] =	stream.indirect.gather [hbm4b:s11+s13], $0x20, s30, s13, $0xb8;
	[tilespmem:$0x1D400] =	vst v63  }
0x4b: {  	_ =	swait.ge [sflag:s15], $0x6800  }
0x4c: {  	[sflag:s15] =	ssyncset.done $0x0  }
0x4d: {  	s1 =	rddreg [dreg:$0x7];
	[sflag:s15] =	ssyncadd.s32 $0xFFFF9800  }
0x4e: {  	[hbm4b:s1+s4] =	stream.strided.scatter [tilespmem:s12], [sflag:$0x5], $0x6800, s6, s4, $0x38;
	[tilespmem:$0x1D400] =	vst v63  }
0x4f: {  	_ =	swait.ge [sflag:s5], $0x6800  }
0x50: {  	[sflag:s5] =	ssyncset.done $0x0  }
0x51: {  	[sflag:s5] =	ssyncadd.s32 $0xFFFF9800  }
0x52: {  	[tilespmem:s12], [sflag:$0x1] =	stream.indirect.gather [hbm4b:s11+s13], $0x20, s29, s13, $0xb8;
	[tilespmem:$0x1D400] =	vst v63  }
0x53: {  	_ =	swait.ge [sflag:s17], $0x6800  }
0x54: {  	[sflag:s17] =	ssyncset.done $0x0  }
0x55: {  	s1 =	rddreg [dreg:$0x8];
	[sflag:s17] =	ssyncadd.s32 $0xFFFF9800  }
0x56: {  	[hbm4b:s1+s4] =	stream.strided.scatter [tilespmem:s10], [sflag:$0x6], $0x6800, s6, s4, $0x38;
	[tilespmem:$0x1D400] =	vst v63  }
0x57: {  	_ =	swait.ge [sflag:s7], $0x6800  }
0x58: {  	[sflag:s7] =	ssyncset.done $0x0  }
0x59: {  	[sflag:s7] =	ssyncadd.s32 $0xFFFF9800  }
0x5a: {  	[tilespmem:s10], [sflag:$0x2] =	stream.indirect.gather [hbm4b:s11+s13], $0x20, s28, s13, $0xb8;
	[tilespmem:$0x1D400] =	vst v63  }
0x5b: {  	_ =	swait.ge [sflag:s16], $0x6800  }
0x5c: {  	[sflag:s16] =	ssyncset.done $0x0  }
0x5d: {  	s1 =	rddreg [dreg:$0x9];
	[sflag:s16] =	ssyncadd.s32 $0xFFFF9800  }
0x5e: {  	[hbm4b:s1+s4] =	stream.strided.scatter [tilespmem:s3], [sflag:$0x7], $0x6800, s6, s4, $0x38;
	[tilespmem:$0x1D400] =	vst v63  }
0x5f: {  	_ =	swait.ge [sflag:s8], $0x6800  }
0x60: {  	[sflag:s8] =	ssyncset.done $0x0  }
0x61: {  	[sflag:s8] =	ssyncadd.s32 $0xFFFF9800  }
0x62: {  	[tilespmem:s3], [sflag:$0x3] =	stream.indirect.gather [hbm4b:s11+s13], $0x20, s26, s13, $0xb8;
	[tilespmem:$0x1D400] =	vst v63  }
0x63: {  	_ =	swait.ge [sflag:s14], $0x6800  }
0x64: {  	[sflag:s14] =	ssyncset.done $0x0  }
0x65: {  	s1 =	rddreg [dreg:$0xa];
	[sflag:s14] =	ssyncadd.s32 $0xFFFF9800  }
0x66: {  	[hbm4b:s1+s4] =	stream.strided.scatter [tilespmem:s2], [sflag:$0x8], $0x6800, s6, s4, $0x38;
	[tilespmem:$0x1D400] =	vst v63  }
0x67: {  	_ =	swait.ge [sflag:s9], $0x6800  }
0x68: {  	[sflag:s9] =	ssyncset.done $0x0  }
0x69: {  	[sflag:s9] =	ssyncadd.s32 $0xFFFF9800  }
0x6a: {  	[tilespmem:s2], [sflag:$0x4] =	stream.indirect.gather [hbm4b:s11+s13], $0x20, s25, s13, $0xb8;
	[tilespmem:$0x1D400] =	vst v63  }
0x6b: {  	_ =	swait.ge [sflag:s15], $0x6800  }
0x6c: {  	[sflag:s15] =	ssyncset.done $0x0  }
0x6d: {  	s1 =	rddreg [dreg:$0xb];
	[sflag:s15] =	ssyncadd.s32 $0xFFFF9800  }
0x6e: {  	[hbm4b:s1+s4] =	stream.strided.scatter [tilespmem:s12], [sflag:$0x5], $0x6800, s6, s4, $0x38;
	[tilespmem:$0x1D400] =	vst v63  }
0x6f: {  	_ =	swait.ge [sflag:s5], $0x6800  }
0x70: {  	[sflag:s5] =	ssyncset.done $0x0  }
0x71: {  	[sflag:s5] =	ssyncadd.s32 $0xFFFF9800  }
0x72: {  	[tilespmem:s12], [sflag:$0x1] =	stream.indirect.gather [hbm4b:s11+s13], $0x20, s24, s13, $0xb8;
	[tilespmem:$0x1D400] =	vst v63  }
0x73: {  	_ =	swait.ge [sflag:s17], $0x6800  }
0x74: {  	[sflag:s17] =	ssyncset.done $0x0  }
0x75: {  	s1 =	rddreg [dreg:$0xc];
	[sflag:s17] =	ssyncadd.s32 $0xFFFF9800  }
0x76: {  	[hbm4b:s1+s4] =	stream.strided.scatter [tilespmem:s10], [sflag:$0x6], $0x6800, s6, s4, $0x38;
	[tilespmem:$0x1D400] =	vst v63  }
0x77: {  	_ =	swait.ge [sflag:s7], $0x6800  }
0x78: {  	[sflag:s7] =	ssyncset.done $0x0  }
0x79: {  	[sflag:s7] =	ssyncadd.s32 $0xFFFF9800  }
0x7a: {  	[tilespmem:s10], [sflag:$0x2] =	stream.indirect.gather [hbm4b:s11+s13], $0x20, s21, s13, $0xb8;
	[tilespmem:$0x1D400] =	vst v63  }
0x7b: {  	_ =	swait.ge [sflag:s16], $0x6800  }
0x7c: {  	[sflag:s16] =	ssyncset.done $0x0  }
0x7d: {  	s1 =	rddreg [dreg:$0xd];
	[sflag:s16] =	ssyncadd.s32 $0xFFFF9800  }
0x7e: {  	[hbm4b:s1+s4] =	stream.strided.scatter [tilespmem:s3], [sflag:$0x7], $0x6800, s6, s4, $0x38;
	[tilespmem:$0x1D400] =	vst v63  }
0x7f: {  	_ =	swait.ge [sflag:s8], $0x6800  }
0x80: {  	[sflag:s8] =	ssyncset.done $0x0  }
0x81: {  	[sflag:s8] =	ssyncadd.s32 $0xFFFF9800  }
0x82: {  	[tilespmem:s3], [sflag:$0x3] =	stream.indirect.gather [hbm4b:s11+s13], $0x20, s20, s13, $0xb8;
	[tilespmem:$0x1D400] =	vst v63  }
0x83: {  	_ =	swait.ge [sflag:s14], $0x6800  }
0x84: {  	[sflag:s14] =	ssyncset.done $0x0  }
0x85: {  	s1 =	rddreg [dreg:$0xe];
	[sflag:s14] =	ssyncadd.s32 $0xFFFF9800  }
0x86: {  	[hbm4b:s1+s4] =	stream.strided.scatter [tilespmem:s2], [sflag:$0x8], $0x6800, s6, s4, $0x38;
	[tilespmem:$0x1D400] =	vst v63  }
0x87: {  	_ =	swait.ge [sflag:s9], $0x6800  }
0x88: {  	[sflag:s9] =	ssyncset.done $0x0  }
0x89: {  	[sflag:s9] =	ssyncadd.s32 $0xFFFF9800  }
0x8a: {  	[tilespmem:s2], [sflag:$0x4] =	stream.indirect.gather [hbm4b:s11+s13], $0x20, s19, s13, $0xb8;
	[tilespmem:$0x1D400] =	vst v63  }
0x8b: {  	_ =	swait.ge [sflag:s15], $0x6800  }
0x8c: {  	[sflag:s15] =	ssyncset.done $0x0  }
0x8d: {  	s1 =	rddreg [dreg:$0xf];
	[sflag:s15] =	ssyncadd.s32 $0xFFFF9800  }
0x8e: {  	[hbm4b:s1+s4] =	stream.strided.scatter [tilespmem:s12], [sflag:$0x5], $0x6800, s6, s4, $0x38;
	[tilespmem:$0x1D400] =	vst v63  }
0x8f: {  	_ =	swait.ge [sflag:s17], $0x6800  }
0x90: {  	[sflag:s17] =	ssyncset.done $0x0  }
0x91: {  	s1 =	rddreg [dreg:$0x10];
	[sflag:s17] =	ssyncadd.s32 $0xFFFF9800  }
0x92: {  	[hbm4b:s1+s4] =	stream.strided.scatter [tilespmem:s10], [sflag:$0x6], $0x6800, s6, s4, $0x38;
	[tilespmem:$0x1D400] =	vst v63  }
0x93: {  	_ =	swait.ge [sflag:s16], $0x6800  }
0x94: {  	[sflag:s16] =	ssyncset.done $0x0  }
0x95: {  	s1 =	rddreg [dreg:$0x11];
	[sflag:s16] =	ssyncadd.s32 $0xFFFF9800  }
0x96: {  	[hbm4b:s1+s4] =	stream.strided.scatter [tilespmem:s3], [sflag:$0x7], $0x6800, s6, s4, $0x38;
	[tilespmem:$0x1D400] =	vst v63  }
0x97: {  	_ =	swait.ge [sflag:s14], $0x6800  }
0x98: {  	[sflag:s14] =	ssyncset.done $0x0  }
0x99: {  	s1 =	rddreg [dreg:$0x12];
	[sflag:s14] =	ssyncadd.s32 $0xFFFF9800  }
0x9a: {  	[hbm4b:s1+s4] =	stream.strided.scatter [tilespmem:s2], [sflag:$0x8], $0x6800, s6, s4, $0x38;
	[tilespmem:$0x1D400] =	vst v63  }
0x9b: {  	_ =	swait.ge [sflag:s5], $0x6800  }
0x9c: {  	[sflag:s5] =	ssyncset.done $0x0  }
0x9d: {  	[sflag:s5] =	ssyncadd.s32 $0xFFFF9800  }
0x9e: {  	_ =	swait.ge [sflag:s7], $0x6800  }
0x9f: {  	[sflag:s7] =	ssyncset.done $0x0  }
0xa0: {  	p1 =	sne.s32 s18, $0x1;
	[sflag:s7] =	ssyncadd.s32 $0xFFFF9800  }
.Ltmp1:
0xa1: {  	_ =	swait.ge [sflag:s8], $0x6800;
	(pc) =	sbr.rel @!p1 .LBB2_3-.Ltmp1, $4  }
0xa2: {  	[sflag:s8] =	ssyncset.done $0x0  }
0xa3: {  	[sflag:s8] =	ssyncadd.s32 $0xFFFF9800  }
0xa4: {  	p0 =	por $0x1, $0x1;
	_ =	swait.ge [sflag:s9], $0x6800  }
0xa5: {  	s1 =	sadd.s32 $0xFFFFFFFF, s18;
	s0 =	rddreg [dreg:$0x3];
	[sflag:s9] =	ssyncset.done $0x0  }
.LBB2_4:
0xa6: {  	[sflag:s9] =	ssyncadd.s32 $0xFFFF9800  }
0xa7: {  	[tilespmem:s23], [sflag:$0x9] =	stream.linear.gather [hbm4b:s0+s23], $0x3400, $0x38;
	[tilespmem:$0x1D400] =	vst v63  }
0xa8: {  	_ =	swait.ge [sflag:s31], $0x3400  }
0xa9: {  	[sflag:s31] =	ssyncset.done $0x0  }
0xaa: {  	[sflag:s31] =	ssyncadd.s32 $0xFFFFCC00  }
0xab: {  	[tilespmem:s12], [sflag:$0x1] =	stream.indirect.gather [hbm4b:s11+s13], $0x20, s23, s13, $0xb8;
	[tilespmem:$0x1D400] =	vst v63  }
0xac: {  	_ = 	snop  }
0xad: {  	[tilespmem:s10], [sflag:$0x2] =	stream.indirect.gather [hbm4b:s11+s13], $0x20, s13, s13, $0xb8;
	[tilespmem:$0x1D400] =	vst v63  }
0xae: {  	s0 =	rddreg [dreg:$0x13]  }
0xaf: {  	[tilespmem:s3], [sflag:$0x3] =	stream.indirect.gather [hbm4b:s11+s13], $0x20, s0, s13, $0xb8;
	[tilespmem:$0x1D400] =	vst v63  }
0xb0: {  	s18 =	rddreg [dreg:$0x14]  }
0xb1: {  	[tilespmem:s2], [sflag:$0x4] =	stream.indirect.gather [hbm4b:s11+s13], $0x20, s18, s13, $0xb8;
	[tilespmem:$0x1D400] =	vst v63  }
0xb2: {  	_ =	swait.ge [sflag:s15], $0x6800  }
0xb3: {  	[sflag:s15] =	ssyncset.done $0x0  }
0xb4: {  	[sflag:s15] =	ssyncadd.s32 $0xFFFF9800  }
0xb5: {  	[hbm4b:s22+s4] =	stream.strided.scatter [tilespmem:s12], [sflag:$0x5], $0x6800, s6, s4, $0x38;
	[tilespmem:$0x1D400] =	vst v63  }
0xb6: {  	_ =	swait.ge [sflag:s5], $0x6800  }
0xb7: {  	[sflag:s5] =	ssyncset.done $0x0  }
0xb8: {  	s18 =	rddreg [dreg:$0x15];
	[sflag:s5] =	ssyncadd.s32 $0xFFFF9800  }
0xb9: {  	[tilespmem:s12], [sflag:$0x1] =	stream.indirect.gather [hbm4b:s11+s13], $0x20, s18, s13, $0xb8;
	[tilespmem:$0x1D400] =	vst v63  }
0xba: {  	_ =	swait.ge [sflag:s17], $0x6800  }
0xbb: {  	[sflag:s17] =	ssyncset.done $0x0  }
0xbc: {  	s18 =	rddreg [dreg:$0x4];
	[sflag:s17] =	ssyncadd.s32 $0xFFFF9800  }
0xbd: {  	[hbm4b:s18+s4] =	stream.strided.scatter [tilespmem:s10], [sflag:$0x6], $0x6800, s6, s4, $0x38;
	[tilespmem:$0x1D400] =	vst v63  }
0xbe: {  	_ =	swait.ge [sflag:s7], $0x6800  }
0xbf: {  	[sflag:s7] =	ssyncset.done $0x0  }
0xc0: {  	s18 =	rddreg [dreg:$0x16];
	[sflag:s7] =	ssyncadd.s32 $0xFFFF9800  }
0xc1: {  	[tilespmem:s10], [sflag:$0x2] =	stream.indirect.gather [hbm4b:s11+s13], $0x20, s18, s13, $0xb8;
	[tilespmem:$0x1D400] =	vst v63  }
0xc2: {  	_ =	swait.ge [sflag:s16], $0x6800  }
0xc3: {  	[sflag:s16] =	ssyncset.done $0x0  }
0xc4: {  	s18 =	rddreg [dreg:$0x5];
	[sflag:s16] =	ssyncadd.s32 $0xFFFF9800  }
0xc5: {  	[hbm4b:s18+s4] =	stream.strided.scatter [tilespmem:s3], [sflag:$0x7], $0x6800, s6, s4, $0x38;
	[tilespmem:$0x1D400] =	vst v63  }
0xc6: {  	_ =	swait.ge [sflag:s8], $0x6800  }
0xc7: {  	[sflag:s8] =	ssyncset.done $0x0  }
0xc8: {  	s18 =	simm.s32 $0x1380;
	[sflag:s8] =	ssyncadd.s32 $0xFFFF9800  }
0xc9: {  	[tilespmem:s3], [sflag:$0x3] =	stream.indirect.gather [hbm4b:s11+s13], $0x20, s18, s13, $0xb8;
	[tilespmem:$0x1D400] =	vst v63  }
0xca: {  	_ =	swait.ge [sflag:s14], $0x6800  }
0xcb: {  	[sflag:s14] =	ssyncset.done $0x0  }
0xcc: {  	s18 =	rddreg [dreg:$0x6];
	[sflag:s14] =	ssyncadd.s32 $0xFFFF9800  }
0xcd: {  	[hbm4b:s18+s4] =	stream.strided.scatter [tilespmem:s2], [sflag:$0x8], $0x6800, s6, s4, $0x38;
	[tilespmem:$0x1D400] =	vst v63  }
0xce: {  	_ =	swait.ge [sflag:s9], $0x6800  }
0xcf: {  	[sflag:s9] =	ssyncset.done $0x0  }
0xd0: {  	[sflag:s9] =	ssyncadd.s32 $0xFFFF9800  }
0xd1: {  	[tilespmem:s2], [sflag:$0x4] =	stream.indirect.gather [hbm4b:s11+s13], $0x20, s30, s13, $0xb8;
	[tilespmem:$0x1D400] =	vst v63  }
0xd2: {  	_ =	swait.ge [sflag:s15], $0x6800  }
0xd3: {  	[sflag:s15] =	ssyncset.done $0x0  }
0xd4: {  	s18 =	rddreg [dreg:$0x7];
	[sflag:s15] =	ssyncadd.s32 $0xFFFF9800  }
0xd5: {  	[hbm4b:s18+s4] =	stream.strided.scatter [tilespmem:s12], [sflag:$0x5], $0x6800, s6, s4, $0x38;
	[tilespmem:$0x1D400] =	vst v63  }
0xd6: {  	_ =	swait.ge [sflag:s5], $0x6800  }
0xd7: {  	[sflag:s5] =	ssyncset.done $0x0  }
0xd8: {  	[sflag:s5] =	ssyncadd.s32 $0xFFFF9800  }
0xd9: {  	[tilespmem:s12], [sflag:$0x1] =	stream.indirect.gather [hbm4b:s11+s13], $0x20, s29, s13, $0xb8;
	[tilespmem:$0x1D400] =	vst v63  }
0xda: {  	_ =	swait.ge [sflag:s17], $0x6800  }
0xdb: {  	[sflag:s17] =	ssyncset.done $0x0  }
0xdc: {  	s18 =	rddreg [dreg:$0x8];
	[sflag:s17] =	ssyncadd.s32 $0xFFFF9800  }
0xdd: {  	[hbm4b:s18+s4] =	stream.strided.scatter [tilespmem:s10], [sflag:$0x6], $0x6800, s6, s4, $0x38;
	[tilespmem:$0x1D400] =	vst v63  }
0xde: {  	_ =	swait.ge [sflag:s7], $0x6800  }
0xdf: {  	[sflag:s7] =	ssyncset.done $0x0  }
0xe0: {  	[sflag:s7] =	ssyncadd.s32 $0xFFFF9800  }
0xe1: {  	[tilespmem:s10], [sflag:$0x2] =	stream.indirect.gather [hbm4b:s11+s13], $0x20, s28, s13, $0xb8;
	[tilespmem:$0x1D400] =	vst v63  }
0xe2: {  	_ =	swait.ge [sflag:s16], $0x6800  }
0xe3: {  	[sflag:s16] =	ssyncset.done $0x0  }
0xe4: {  	s18 =	rddreg [dreg:$0x9];
	[sflag:s16] =	ssyncadd.s32 $0xFFFF9800  }
0xe5: {  	[hbm4b:s18+s4] =	stream.strided.scatter [tilespmem:s3], [sflag:$0x7], $0x6800, s6, s4, $0x38;
	[tilespmem:$0x1D400] =	vst v63  }
0xe6: {  	_ =	swait.ge [sflag:s8], $0x6800  }
0xe7: {  	[sflag:s8] =	ssyncset.done $0x0  }
0xe8: {  	[sflag:s8] =	ssyncadd.s32 $0xFFFF9800  }
0xe9: {  	[tilespmem:s3], [sflag:$0x3] =	stream.indirect.gather [hbm4b:s11+s13], $0x20, s26, s13, $0xb8;
	[tilespmem:$0x1D400] =	vst v63  }
0xea: {  	_ =	swait.ge [sflag:s14], $0x6800  }
0xeb: {  	[sflag:s14] =	ssyncset.done $0x0  }
0xec: {  	s18 =	rddreg [dreg:$0xa];
	[sflag:s14] =	ssyncadd.s32 $0xFFFF9800  }
0xed: {  	[hbm4b:s18+s4] =	stream.strided.scatter [tilespmem:s2], [sflag:$0x8], $0x6800, s6, s4, $0x38;
	[tilespmem:$0x1D400] =	vst v63  }
0xee: {  	_ =	swait.ge [sflag:s9], $0x6800  }
0xef: {  	[sflag:s9] =	ssyncset.done $0x0  }
0xf0: {  	[sflag:s9] =	ssyncadd.s32 $0xFFFF9800  }
0xf1: {  	[tilespmem:s2], [sflag:$0x4] =	stream.indirect.gather [hbm4b:s11+s13], $0x20, s25, s13, $0xb8;
	[tilespmem:$0x1D400] =	vst v63  }
0xf2: {  	_ =	swait.ge [sflag:s15], $0x6800  }
0xf3: {  	[sflag:s15] =	ssyncset.done $0x0  }
0xf4: {  	s18 =	rddreg [dreg:$0xb];
	[sflag:s15] =	ssyncadd.s32 $0xFFFF9800  }
0xf5: {  	[hbm4b:s18+s4] =	stream.strided.scatter [tilespmem:s12], [sflag:$0x5], $0x6800, s6, s4, $0x38;
	[tilespmem:$0x1D400] =	vst v63  }
0xf6: {  	_ =	swait.ge [sflag:s5], $0x6800  }
0xf7: {  	[sflag:s5] =	ssyncset.done $0x0  }
0xf8: {  	[sflag:s5] =	ssyncadd.s32 $0xFFFF9800  }
0xf9: {  	[tilespmem:s12], [sflag:$0x1] =	stream.indirect.gather [hbm4b:s11+s13], $0x20, s24, s13, $0xb8;
	[tilespmem:$0x1D400] =	vst v63  }
0xfa: {  	_ =	swait.ge [sflag:s17], $0x6800  }
0xfb: {  	[sflag:s17] =	ssyncset.done $0x0  }
0xfc: {  	s18 =	rddreg [dreg:$0xc];
	[sflag:s17] =	ssyncadd.s32 $0xFFFF9800  }
0xfd: {  	[hbm4b:s18+s4] =	stream.strided.scatter [tilespmem:s10], [sflag:$0x6], $0x6800, s6, s4, $0x38;
	[tilespmem:$0x1D400] =	vst v63  }
0xfe: {  	_ =	swait.ge [sflag:s7], $0x6800  }
0xff: {  	[sflag:s7] =	ssyncset.done $0x0  }
0x100: {  	[sflag:s7] =	ssyncadd.s32 $0xFFFF9800  }
0x101: {  	[tilespmem:s10], [sflag:$0x2] =	stream.indirect.gather [hbm4b:s11+s13], $0x20, s21, s13, $0xb8;
	[tilespmem:$0x1D400] =	vst v63  }
0x102: {  	_ =	swait.ge [sflag:s16], $0x6800  }
0x103: {  	[sflag:s16] =	ssyncset.done $0x0  }
0x104: {  	s18 =	rddreg [dreg:$0xd];
	[sflag:s16] =	ssyncadd.s32 $0xFFFF9800  }
0x105: {  	[hbm4b:s18+s4] =	stream.strided.scatter [tilespmem:s3], [sflag:$0x7], $0x6800, s6, s4, $0x38;
	[tilespmem:$0x1D400] =	vst v63  }
0x106: {  	_ =	swait.ge [sflag:s8], $0x6800  }
0x107: {  	[sflag:s8] =	ssyncset.done $0x0  }
0x108: {  	[sflag:s8] =	ssyncadd.s32 $0xFFFF9800  }
0x109: {  	[tilespmem:s3], [sflag:$0x3] =	stream.indirect.gather [hbm4b:s11+s13], $0x20, s20, s13, $0xb8;
	[tilespmem:$0x1D400] =	vst v63  }
0x10a: {  	_ =	swait.ge [sflag:s14], $0x6800  }
0x10b: {  	[sflag:s14] =	ssyncset.done $0x0  }
0x10c: {  	s18 =	rddreg [dreg:$0xe];
	[sflag:s14] =	ssyncadd.s32 $0xFFFF9800  }
0x10d: {  	[hbm4b:s18+s4] =	stream.strided.scatter [tilespmem:s2], [sflag:$0x8], $0x6800, s6, s4, $0x38;
	[tilespmem:$0x1D400] =	vst v63  }
0x10e: {  	_ =	swait.ge [sflag:s9], $0x6800  }
0x10f: {  	[sflag:s9] =	ssyncset.done $0x0  }
0x110: {  	[sflag:s9] =	ssyncadd.s32 $0xFFFF9800  }
0x111: {  	[tilespmem:s2], [sflag:$0x4] =	stream.indirect.gather [hbm4b:s11+s13], $0x20, s19, s13, $0xb8;
	[tilespmem:$0x1D400] =	vst v63  }
0x112: {  	_ =	swait.ge [sflag:s15], $0x6800  }
0x113: {  	[sflag:s15] =	ssyncset.done $0x0  }
0x114: {  	s18 =	rddreg [dreg:$0xf];
	[sflag:s15] =	ssyncadd.s32 $0xFFFF9800  }
0x115: {  	[hbm4b:s18+s4] =	stream.strided.scatter [tilespmem:s12], [sflag:$0x5], $0x6800, s6, s4, $0x38;
	[tilespmem:$0x1D400] =	vst v63  }
0x116: {  	_ =	swait.ge [sflag:s17], $0x6800  }
0x117: {  	[sflag:s17] =	ssyncset.done $0x0  }
0x118: {  	s18 =	rddreg [dreg:$0x10];
	[sflag:s17] =	ssyncadd.s32 $0xFFFF9800  }
0x119: {  	[hbm4b:s18+s4] =	stream.strided.scatter [tilespmem:s10], [sflag:$0x6], $0x6800, s6, s4, $0x38;
	[tilespmem:$0x1D400] =	vst v63  }
0x11a: {  	_ =	swait.ge [sflag:s16], $0x6800  }
0x11b: {  	[sflag:s16] =	ssyncset.done $0x0  }
0x11c: {  	s18 =	rddreg [dreg:$0x11];
	[sflag:s16] =	ssyncadd.s32 $0xFFFF9800  }
0x11d: {  	[hbm4b:s18+s4] =	stream.strided.scatter [tilespmem:s3], [sflag:$0x7], $0x6800, s6, s4, $0x38;
	[tilespmem:$0x1D400] =	vst v63  }
0x11e: {  	_ =	swait.ge [sflag:s14], $0x6800  }
0x11f: {  	[sflag:s14] =	ssyncset.done $0x0  }
0x120: {  	s18 =	rddreg [dreg:$0x12];
	[sflag:s14] =	ssyncadd.s32 $0xFFFF9800  }
0x121: {  	[hbm4b:s18+s4] =	stream.strided.scatter [tilespmem:s2], [sflag:$0x8], $0x6800, s6, s4, $0x38;
	[tilespmem:$0x1D400] =	vst v63  }
0x122: {  	_ =	swait.ge [sflag:s5], $0x6800  }
0x123: {  	[sflag:s5] =	ssyncset.done $0x0  }
0x124: {  	[sflag:s5] =	ssyncadd.s32 $0xFFFF9800  }
0x125: {  	_ =	swait.ge [sflag:s7], $0x6800  }
0x126: {  	[sflag:s7] =	ssyncset.done $0x0  }
0x127: {  	p1 =	sne.s32 s1, $0x1;
	[sflag:s7] =	ssyncadd.s32 $0xFFFF9800  }
.Ltmp2:
0x128: {  	_ =	swait.ge [sflag:s8], $0x6800;
	(pc) =	sbr.rel @p1 .LBB2_4-.Ltmp2, $4  }
0x129: {  	[sflag:s8] =	ssyncset.done $0x0  }
0x12a: {  	[sflag:s8] =	ssyncadd.s32 $0xFFFF9800  }
0x12b: {  	_ =	swait.ge [sflag:s9], $0x6800  }
0x12c: {  	s1 =	sadd.s32 $0xFFFFFFFF, s1;
	s0 =	rddreg [dreg:$0x3];
	[sflag:s9] =	ssyncset.done $0x0  }
0x12d: {  	s19 =	simm.s32 $0x1380  }
0x12e: {  	s30 =	simm.s32 $0x16C0;
	s29 =	simm.s32 $0x1A00;
	s28 =	simm.s32 $0x1D40  }
0x12f: {  	s26 =	simm.s32 $0x2080;
	s25 =	simm.s32 $0x23C0;
	s24 =	simm.s32 $0x2700  }
0x130: {  	s21 =	simm.s32 $0x2A40;
	s20 =	simm.s32 $0x2D80;
	s18 =	stileid.u32  }
.LBB2_6:
0x131: {  	[sflag:s9] =	ssyncadd.s32 @p0 $0xFFFF9800  }
0x132: {  	[tilespmem:s23], [sflag:$0x9] =	stream.linear.gather [hbm4b:s0+s23], $0x3400, $0x38;
	[tilespmem:$0x1D400] =	vst v63  }
0x133: {  	_ =	swait.ge [sflag:s31], $0x3400  }
0x134: {  	[sflag:s31] =	ssyncset.done $0x0  }
0x135: {  	[sflag:s31] =	ssyncadd.s32 $0xFFFFCC00  }
0x136: {  	[tilespmem:s12], [sflag:$0x1] =	stream.indirect.gather [hbm4b:s11+s13], $0x20, s23, s13, $0xb8;
	[tilespmem:$0x1D400] =	vst v63  }
0x137: {  	_ = 	snop  }
0x138: {  	[tilespmem:s10], [sflag:$0x2] =	stream.indirect.gather [hbm4b:s11+s13], $0x20, s13, s13, $0xb8;
	[tilespmem:$0x1D400] =	vst v63  }
0x139: {  	s31 =	rddreg [dreg:$0x13]  }
0x13a: {  	[tilespmem:s3], [sflag:$0x3] =	stream.indirect.gather [hbm4b:s11+s13], $0x20, s31, s13, $0xb8;
	[tilespmem:$0x1D400] =	vst v63  }
0x13b: {  	s1 =	rddreg [dreg:$0x14]  }
0x13c: {  	[tilespmem:s2], [sflag:$0x4] =	stream.indirect.gather [hbm4b:s11+s13], $0x20, s1, s13, $0xb8;
	[tilespmem:$0x1D400] =	vst v63  }
0x13d: {  	_ =	swait.ge [sflag:s15], $0x6800  }
0x13e: {  	[sflag:s15] =	ssyncset.done $0x0  }
0x13f: {  	[sflag:s15] =	ssyncadd.s32 $0xFFFF9800  }
0x140: {  	[hbm4b:s22+s4] =	stream.strided.scatter [tilespmem:s12], [sflag:$0x5], $0x6800, s6, s4, $0x38;
	[tilespmem:$0x1D400] =	vst v63  }
0x141: {  	_ =	swait.ge [sflag:s5], $0x6800  }
0x142: {  	[sflag:s5] =	ssyncset.done $0x0  }
0x143: {  	s23 =	rddreg [dreg:$0x15];
	[sflag:s5] =	ssyncadd.s32 $0xFFFF9800  }
0x144: {  	[tilespmem:s12], [sflag:$0x1] =	stream.indirect.gather [hbm4b:s11+s13], $0x20, s23, s13, $0xb8;
	[tilespmem:$0x1D400] =	vst v63  }
0x145: {  	_ =	swait.ge [sflag:s17], $0x6800  }
0x146: {  	[sflag:s17] =	ssyncset.done $0x0  }
0x147: {  	s31 =	rddreg [dreg:$0x4];
	[sflag:s17] =	ssyncadd.s32 $0xFFFF9800  }
0x148: {  	[hbm4b:s31+s4] =	stream.strided.scatter [tilespmem:s10], [sflag:$0x6], $0x6800, s6, s4, $0x38;
	[tilespmem:$0x1D400] =	vst v63  }
0x149: {  	_ =	swait.ge [sflag:s7], $0x6800  }
0x14a: {  	[sflag:s7] =	ssyncset.done $0x0  }
0x14b: {  	s1 =	rddreg [dreg:$0x16];
	[sflag:s7] =	ssyncadd.s32 $0xFFFF9800  }
0x14c: {  	[tilespmem:s10], [sflag:$0x2] =	stream.indirect.gather [hbm4b:s11+s13], $0x20, s1, s13, $0xb8;
	[tilespmem:$0x1D400] =	vst v63  }
0x14d: {  	_ =	swait.ge [sflag:s16], $0x6800  }
0x14e: {  	[sflag:s16] =	ssyncset.done $0x0  }
0x14f: {  	s22 =	rddreg [dreg:$0x5];
	[sflag:s16] =	ssyncadd.s32 $0xFFFF9800  }
0x150: {  	[hbm4b:s22+s4] =	stream.strided.scatter [tilespmem:s3], [sflag:$0x7], $0x6800, s6, s4, $0x38;
	[tilespmem:$0x1D400] =	vst v63  }
0x151: {  	_ =	swait.ge [sflag:s8], $0x6800  }
0x152: {  	[sflag:s8] =	ssyncset.done $0x0  }
0x153: {  	[sflag:s8] =	ssyncadd.s32 $0xFFFF9800  }
0x154: {  	[tilespmem:s3], [sflag:$0x3] =	stream.indirect.gather [hbm4b:s11+s13], $0x20, s19, s13, $0xb8;
	[tilespmem:$0x1D400] =	vst v63  }
0x155: {  	_ =	swait.ge [sflag:s14], $0x6800  }
0x156: {  	[sflag:s14] =	ssyncset.done $0x0  }
0x157: {  	s23 =	rddreg [dreg:$0x6];
	[sflag:s14] =	ssyncadd.s32 $0xFFFF9800  }
0x158: {  	[hbm4b:s23+s4] =	stream.strided.scatter [tilespmem:s2], [sflag:$0x8], $0x6800, s6, s4, $0x38;
	[tilespmem:$0x1D400] =	vst v63  }
0x159: {  	_ =	swait.ge [sflag:s9], $0x6800  }
0x15a: {  	[sflag:s9] =	ssyncset.done $0x0  }
0x15b: {  	[sflag:s9] =	ssyncadd.s32 $0xFFFF9800  }
0x15c: {  	[tilespmem:s2], [sflag:$0x4] =	stream.indirect.gather [hbm4b:s11+s13], $0x20, s30, s13, $0xb8;
	[tilespmem:$0x1D400] =	vst v63  }
0x15d: {  	_ =	swait.ge [sflag:s15], $0x6800  }
0x15e: {  	[sflag:s15] =	ssyncset.done $0x0  }
0x15f: {  	s30 =	rddreg [dreg:$0x7];
	[sflag:s15] =	ssyncadd.s32 $0xFFFF9800  }
0x160: {  	[hbm4b:s30+s4] =	stream.strided.scatter [tilespmem:s12], [sflag:$0x5], $0x6800, s6, s4, $0x38;
	[tilespmem:$0x1D400] =	vst v63  }
0x161: {  	_ =	swait.ge [sflag:s5], $0x6800  }
0x162: {  	[sflag:s5] =	ssyncset.done $0x0  }
0x163: {  	[sflag:s5] =	ssyncadd.s32 $0xFFFF9800  }
0x164: {  	[tilespmem:s12], [sflag:$0x1] =	stream.indirect.gather [hbm4b:s11+s13], $0x20, s29, s13, $0xb8;
	[tilespmem:$0x1D400] =	vst v63  }
0x165: {  	_ =	swait.ge [sflag:s17], $0x6800  }
0x166: {  	[sflag:s17] =	ssyncset.done $0x0  }
0x167: {  	s31 =	rddreg [dreg:$0x8];
	[sflag:s17] =	ssyncadd.s32 $0xFFFF9800  }
0x168: {  	[hbm4b:s31+s4] =	stream.strided.scatter [tilespmem:s10], [sflag:$0x6], $0x6800, s6, s4, $0x38;
	[tilespmem:$0x1D400] =	vst v63  }
0x169: {  	_ =	swait.ge [sflag:s7], $0x6800  }
0x16a: {  	[sflag:s7] =	ssyncset.done $0x0  }
0x16b: {  	[sflag:s7] =	ssyncadd.s32 $0xFFFF9800  }
0x16c: {  	[tilespmem:s10], [sflag:$0x2] =	stream.indirect.gather [hbm4b:s11+s13], $0x20, s28, s13, $0xb8;
	[tilespmem:$0x1D400] =	vst v63  }
0x16d: {  	_ =	swait.ge [sflag:s16], $0x6800  }
0x16e: {  	[sflag:s16] =	ssyncset.done $0x0  }
0x16f: {  	s1 =	rddreg [dreg:$0x9];
	[sflag:s16] =	ssyncadd.s32 $0xFFFF9800  }
0x170: {  	[hbm4b:s1+s4] =	stream.strided.scatter [tilespmem:s3], [sflag:$0x7], $0x6800, s6, s4, $0x38;
	[tilespmem:$0x1D400] =	vst v63  }
0x171: {  	_ =	swait.ge [sflag:s8], $0x6800  }
0x172: {  	[sflag:s8] =	ssyncset.done $0x0  }
0x173: {  	[sflag:s8] =	ssyncadd.s32 $0xFFFF9800  }
0x174: {  	[tilespmem:s3], [sflag:$0x3] =	stream.indirect.gather [hbm4b:s11+s13], $0x20, s26, s13, $0xb8;
	[tilespmem:$0x1D400] =	vst v63  }
0x175: {  	_ =	swait.ge [sflag:s14], $0x6800  }
0x176: {  	[sflag:s14] =	ssyncset.done $0x0  }
0x177: {  	s19 =	rddreg [dreg:$0xa];
	[sflag:s14] =	ssyncadd.s32 $0xFFFF9800  }
0x178: {  	[hbm4b:s19+s4] =	stream.strided.scatter [tilespmem:s2], [sflag:$0x8], $0x6800, s6, s4, $0x38;
	[tilespmem:$0x1D400] =	vst v63  }
0x179: {  	_ =	swait.ge [sflag:s9], $0x6800  }
0x17a: {  	[sflag:s9] =	ssyncset.done $0x0  }
0x17b: {  	[sflag:s9] =	ssyncadd.s32 $0xFFFF9800  }
0x17c: {  	[tilespmem:s2], [sflag:$0x4] =	stream.indirect.gather [hbm4b:s11+s13], $0x20, s25, s13, $0xb8;
	[tilespmem:$0x1D400] =	vst v63  }
0x17d: {  	_ =	swait.ge [sflag:s15], $0x6800  }
0x17e: {  	[sflag:s15] =	ssyncset.done $0x0  }
0x17f: {  	s22 =	rddreg [dreg:$0xb];
	[sflag:s15] =	ssyncadd.s32 $0xFFFF9800  }
0x180: {  	[hbm4b:s22+s4] =	stream.strided.scatter [tilespmem:s12], [sflag:$0x5], $0x6800, s6, s4, $0x38;
	[tilespmem:$0x1D400] =	vst v63  }
0x181: {  	_ =	swait.ge [sflag:s5], $0x6800  }
0x182: {  	[sflag:s5] =	ssyncset.done $0x0  }
0x183: {  	[sflag:s5] =	ssyncadd.s32 $0xFFFF9800  }
0x184: {  	[tilespmem:s12], [sflag:$0x1] =	stream.indirect.gather [hbm4b:s11+s13], $0x20, s24, s13, $0xb8;
	[tilespmem:$0x1D400] =	vst v63  }
0x185: {  	_ =	swait.ge [sflag:s17], $0x6800  }
0x186: {  	[sflag:s17] =	ssyncset.done $0x0  }
0x187: {  	s23 =	rddreg [dreg:$0xc];
	[sflag:s17] =	ssyncadd.s32 $0xFFFF9800  }
0x188: {  	[hbm4b:s23+s4] =	stream.strided.scatter [tilespmem:s10], [sflag:$0x6], $0x6800, s6, s4, $0x38;
	[tilespmem:$0x1D400] =	vst v63  }
0x189: {  	_ =	swait.ge [sflag:s7], $0x6800  }
0x18a: {  	[sflag:s7] =	ssyncset.done $0x0  }
0x18b: {  	[sflag:s7] =	ssyncadd.s32 $0xFFFF9800  }
0x18c: {  	[tilespmem:s10], [sflag:$0x2] =	stream.indirect.gather [hbm4b:s11+s13], $0x20, s21, s13, $0xb8;
	[tilespmem:$0x1D400] =	vst v63  }
0x18d: {  	_ =	swait.ge [sflag:s16], $0x6800  }
0x18e: {  	[sflag:s16] =	ssyncset.done $0x0  }
0x18f: {  	s24 =	rddreg [dreg:$0xd];
	[sflag:s16] =	ssyncadd.s32 $0xFFFF9800  }
0x190: {  	[hbm4b:s24+s4] =	stream.strided.scatter [tilespmem:s3], [sflag:$0x7], $0x6800, s6, s4, $0x38;
	[tilespmem:$0x1D400] =	vst v63  }
0x191: {  	_ =	swait.ge [sflag:s8], $0x6800  }
0x192: {  	[sflag:s8] =	ssyncset.done $0x0  }
0x193: {  	[sflag:s8] =	ssyncadd.s32 $0xFFFF9800  }
0x194: {  	[tilespmem:s3], [sflag:$0x3] =	stream.indirect.gather [hbm4b:s11+s13], $0x20, s20, s13, $0xb8;
	[tilespmem:$0x1D400] =	vst v63  }
0x195: {  	_ =	swait.ge [sflag:s14], $0x6800  }
0x196: {  	[sflag:s14] =	ssyncset.done $0x0  }
0x197: {  	s25 =	rddreg [dreg:$0xe];
	[sflag:s14] =	ssyncadd.s32 $0xFFFF9800  }
0x198: {  	[hbm4b:s25+s4] =	stream.strided.scatter [tilespmem:s2], [sflag:$0x8], $0x6800, s6, s4, $0x38;
	[tilespmem:$0x1D400] =	vst v63  }
0x199: {  	_ =	swait.ge [sflag:s9], $0x6800  }
0x19a: {  	[sflag:s9] =	ssyncset.done $0x0  }
0x19b: {  	s26 =	simm.s32 $0x30C0;
	[sflag:s9] =	ssyncadd.s32 $0xFFFF9800  }
0x19c: {  	[tilespmem:s2], [sflag:$0x4] =	stream.indirect.gather [hbm4b:s11+s13], $0x20, s26, s13, $0xb8;
	[tilespmem:$0x1D400] =	vst v63  }
0x19d: {  	_ =	swait.ge [sflag:s15], $0x6800  }
0x19e: {  	[sflag:s15] =	ssyncset.done $0x0  }
0x19f: {  	s28 =	rddreg [dreg:$0xf];
	[sflag:s15] =	ssyncadd.s32 $0xFFFF9800  }
0x1a0: {  	[hbm4b:s28+s4] =	stream.strided.scatter [tilespmem:s12], [sflag:$0x5], $0x6800, s6, s4, $0x38;
	[tilespmem:$0x1D400] =	vst v63  }
0x1a1: {  	_ =	swait.ge [sflag:s17], $0x6800  }
0x1a2: {  	[sflag:s17] =	ssyncset.done $0x0  }
0x1a3: {  	s29 =	rddreg [dreg:$0x10];
	[sflag:s17] =	ssyncadd.s32 $0xFFFF9800  }
0x1a4: {  	[hbm4b:s29+s4] =	stream.strided.scatter [tilespmem:s10], [sflag:$0x6], $0x6800, s6, s4, $0x38;
	[tilespmem:$0x1D400] =	vst v63  }
0x1a5: {  	_ =	swait.ge [sflag:s16], $0x6800  }
0x1a6: {  	[sflag:s16] =	ssyncset.done $0x0  }
0x1a7: {  	s30 =	rddreg [dreg:$0x11];
	[sflag:s16] =	ssyncadd.s32 $0xFFFF9800  }
0x1a8: {  	[hbm4b:s30+s4] =	stream.strided.scatter [tilespmem:s3], [sflag:$0x7], $0x6800, s6, s4, $0x38;
	[tilespmem:$0x1D400] =	vst v63  }
0x1a9: {  	_ =	swait.ge [sflag:s14], $0x6800  }
0x1aa: {  	[sflag:s14] =	ssyncset.done $0x0  }
0x1ab: {  	s31 =	rddreg [dreg:$0x12];
	[sflag:s14] =	ssyncadd.s32 $0xFFFF9800  }
0x1ac: {  	[hbm4b:s31+s4] =	stream.strided.scatter [tilespmem:s2], [sflag:$0x8], $0x6800, s6, s4, $0x38;
	[tilespmem:$0x1D400] =	vst v63  }
0x1ad: {  	_ =	swait.ge [sflag:s5], $0x6800  }
0x1ae: {  	[sflag:s5] =	ssyncset.done $0x0  }
0x1af: {  	[sflag:s5] =	ssyncadd.s32 $0xFFFF9800  }
0x1b0: {  	_ =	swait.ge [sflag:s7], $0x6800  }
0x1b1: {  	[sflag:s7] =	ssyncset.done $0x0  }
0x1b2: {  	[sflag:s7] =	ssyncadd.s32 $0xFFFF9800  }
0x1b3: {  	_ =	swait.ge [sflag:s8], $0x6800  }
0x1b4: {  	[sflag:s8] =	ssyncset.done $0x0  }
0x1b5: {  	[sflag:s8] =	ssyncadd.s32 $0xFFFF9800  }
0x1b6: {  	_ =	swait.ge [sflag:s9], $0x6800  }
0x1b7: {  	[sflag:s9] =	ssyncset.done $0x0  }
0x1b8: {  	[sflag:s9] =	ssyncadd.s32 $0xFFFF9800  }
0x1b9: {  	_ =	sfence.sel $0x180000  }
0x1ba: {  	[bflag:$0x0] =	sbarrier.arrive $0xFFFF  }
0x1bb: {  	_ =	strace $0x90000047  }
0x1bc: {  	[bflag:$0x2] =	sbarrier.arrive $0xFFFF  }
0x1bd: {  	p0 =	sne.s32 s18, $0x0;
	s0 =	rddreg [dreg:$0x2]  }
0x1be: {  	s0 =	sadd.s32 @!p0 $0x100000, s0  }
0x1bf: {  	[sflag:s0] =	ssyncadd.tile.s32 @!p0 $0x1;
	_ =	shalt  }
.LBB2_1:
.Ltmp3:
0x1c0: {  	(pc) =	sbr.rel .LBB2_6-.Ltmp3, $4  }
0x1c1: {  	_ = 	snop  }
0x1c2: {  	s19 =	simm.s32 $0x1380;
	s30 =	simm.s32 $0x16C0;
	s29 =	simm.s32 $0x1A00  }
0x1c3: {  	s28 =	simm.s32 $0x1D40;
	s26 =	simm.s32 $0x2080;
	s25 =	simm.s32 $0x23C0  }
0x1c4: {  	s24 =	simm.s32 $0x2700;
	s21 =	simm.s32 $0x2A40;
	s20 =	simm.s32 $0x2D80  }
.LBB2_3:
.Ltmp4:
0x1c5: {  	(pc) =	sbr.rel .LBB2_6-.Ltmp4, $4  }
0x1c6: {  	s19 =	simm.s32 $0x1380  }
0x1c7: {  	s30 =	simm.s32 $0x16C0;
	s29 =	simm.s32 $0x1A00;
	s28 =	simm.s32 $0x1D40  }
0x1c8: {  	s26 =	simm.s32 $0x2080;
	s25 =	simm.s32 $0x23C0;
	s24 =	simm.s32 $0x2700  }
0x1c9: {  	s21 =	simm.s32 $0x2A40;
	s20 =	simm.s32 $0x2D80;
	s18 =	stileid.u32  }
.Lfunc_end2:
_tile_overlayer_lowered:
.L_overlay_start_2:
0x1ca: {  	(tag) =	ssettag $0x2  }
0x1cb: {  	s0 =	rddreg [dreg:$0x0];
	s2 =	stileid.u32  }
0x1cc: {  	s1 =	rddreg [dreg:$0x1];
	p0 =	sne.s32 s2, $0x0  }
0x1cd: {  	s3 =	rddreg [dreg:$0x2];
	[bflag:$0x3] =	sbarrier.arrive $0xFFFF;
	s2 =	simm.s32 @!p0 $0x1C09  }
0x1ce: {  	[timem:s3], [sflag:s2] =	dma.local @!p0 [hbm:s0], s1  }
0x1cf: {  	s0 =	simm.s32 @!p0 $0x9  }
0x1d0: {  	_ =	swait.ge @!p0 [sflag:s0], s1  }
0x1d1: {  	s1 =	ssub.s32 @!p0 $0x0, s1;
	[sflag:s0] =	ssyncset.done @!p0 $0x0  }
0x1d2: {  	[sflag:s0] =	ssyncadd.s32 @!p0 s1  }
0x1d3: {  	[bflag:$0x3] =	sbarrier.arrive $0xFFFF  }
0x1d4: {  	_ =	shalt  }

// kernel: sparse-core-data-format-call.cloned.1.call-start
scs
called_computation_lowered:
.L_overlay_start_0:
0x0: {  	s2 =	sld [smem:$0x3FD9]  }
0x1: {  	s3 =	sld [smem:$0x3FFE];
	_ =	sdelay $0x1  }
0x2: {  	s1 =	srdreg.scid  }
0x3: {  	s0 =	sand.u32 $0x1, s1  }
0x4: {  	s18 =	sshll.u32 s0, $0xA;
	s2 =	sadd.s32 s3, s2  }
0x5: {  	s2 =	sadd.s32 s2, s18  }
0x6: {  	[smem:$0x3FC6] =	sst s2  }
0x7: {  	_ = 	snop  }
0x8: {  	s2 =	sld [smem:$0x3FD0];
	(tm) =	ssettm $0x1  }
0x9: {  	s19 =	sld [smem:$0x3FFB];
	_ =	sdelay $0x3  }
0xa: {  	_ =	strace s19  }
0xb: {  	s3 =	sld [smem:$0x3FFC];
	_ =	sdelay $0x3  }
0xc: {  	_ =	strace s3  }
0xd: {  	s3 =	sld [smem:$0x3FFD];
	_ =	sdelay $0x3  }
0xe: {  	_ =	strace s3  }
0xf: {  	_ =	strace $0x8FFFFFFF  }
0x10: {  	s20 =	sld [smem:$0x3FDB];
	_ =	sdelay $0x1  }
0x11: {  	s4 =	simm.s32 $_scs_section_size  }
0x12: {  	s5 =	simm.s32 $_size__tile_overlayer_lowered;
	s6 =	simm.s32 $_tile_overlayer_lowered  }
0x13: {  	s23 =	simm.s32 $0x1BFF;
	s22 =	sshll.u32 s6, $0x1;
	s3 =	sadd.s32 s4, s20  }
0x14: {  	s7 =	simm.s32 $0x0;
	s21 =	sshll.u32 s5, $0x1;
	s5 =	sadd.s32 s22, s3  }
0x15: {  	[timem:s7], [sflag:s23] =	dma.local [hbm:s5], s21  }
0x16: {  	_ =	swait.ge [sflag:s23], s21  }
0x17: {  	s4 =	ssub.s32 $0x0, s21;
	[sflag:s23] =	ssyncset.done $0x0  }
0x18: {  	[sflag:s23] =	ssyncadd.s32 s4;
	_ =	sdelay $0x1  }
0x19: {  	s24 =	simm.s32 $0x1B8B  }
0x1a: {  	_ =	swait.ge [sflag:s24], $0x1  }
0x1b: {  	[sflag:s24] =	ssyncset.done $0x0  }
0x1c: {  	s26 =	simm.s32 $0x1B8E;
	s25 =	sld [smem:$0x3FFE];
	[sflag:s24] =	ssyncadd.s32 $0xFFFFFFFF  }
0x1d: {  	s27 =	simm.s32 $execute0_lowered;
	[smem:$0x3FD2] =	sst s26  }
0x1e: {  	s5 =	sshll.u32 s27, $0x1;
	_ =	strace $0x80000049;
	[dreg:$0x1] =	wrdreg $0xFFFFFFFF  }
0x1f: {  	s28 =	simm.s32 $_size_execute0_lowered;
	s3 =	sadd.s32 s3, s5;
	[dreg:$0x0] =	wrdreg $0x0  }
0x20: {  	s5 =	sshll.u32 s28, $0x1;
	[dreg:$0x2] =	wrdreg s3  }
0x21: {  	[dreg:$0x3] =	wrdreg s5  }
0x22: {  	[dreg:$0x4] =	wrdreg $0xC0  }
0x23: {  	_ =	task [dreg:s7], $0x5FFFF  }
0x24: {  	[dreg:$0x1] =	wrdreg $0xFFFFFFFF  }
0x25: {  	[dreg:$0x0] =	wrdreg $0x60  }
0x26: {  	[dreg:$0x2] =	wrdreg s25  }
0x27: {  	[dreg:$0x3] =	wrdreg s2  }
0x28: {  	[dreg:$0x4] =	wrdreg $0x9  }
0x29: {  	_ =	task.clear_ibuf [dreg:s7], $0x5FFFF;
	_ =	strace $0x90000049  }
0x2a: {  	s29 =	simm.s32 $0x9;
	_ =	strace $0x8000004B  }
0x2b: {  	_ =	swait.ge [sflag:s29], $0x1  }
0x2c: {  	[sflag:s29] =	ssyncadd.s32 $0xFFFFFFFF  }
0x2d: {  	_ =	strace $0x9000004B  }
0x2e: {  	_ =	sfence  }
0x2f: {  	s30 =	sld [smem:$0x0];
	_ =	sdelay $0x2  }
0x30: {  	s31 =	sshll.u32 s1, $0xD;
	s1 =	sshrl.u32 s1, $0x2  }
0x31: {  	s3 =	sand.u32 $0x4000, s31;
	s1 =	sadd.s32 s1, s30  }
0x32: {  	s0 =	sor.u32 s3, s0;
	s1 =	sshll.u32 s1, $0x11  }
0x33: {  	s0 =	sor.u32 s1, s0  }
0x34: {  	s0 =	sadd.s32 $0x8F2B, s0  }
0x35: {  	[sflag:s0] =	ssyncadd.remote.s32 $0x1  }
0x36: {  	_ =	sfence.sel $0xFFFF  }
0x37: {  	[dreg:$0x0] =	wrdreg $0xFFFFFFFF;
	(pc) =	sbr.abs _section_cstart, $3  }
0x38: {  	[dreg:$0x1] =	wrdreg $0xFFFFFFFF  }
0x39: {  	_ =	task.clear_ibuf [dreg:s7], $0x2FFFF;
	_ =	strace $0x9FFFFFFF  }
0x3a: {  	(tm) =	ssettm $0x7FFFFFFF  }
0x3b: {  	_ =	shalt  }
tec
execute0_lowered:
.L_overlay_start_1:
0x0: {  	(tag) =	ssettag $0x1  }
0x1: {  	s0 =	srdreg.scid  }
0x2: {  	s1 =	sshll.u32 s0, $0x4  }
0x3: {  	s0 =	stileid.u32;
	s1 =	sand.u32 $0x10, s1  }
0x4: {  	s7 =	rddreg [dreg:$0x0];
	s1 =	sor.u32 s0, s1  }
0x5: {  	s4 =	simm.s32 $0x1;
	s8 =	simm.s32 $0x2;
	s2 =	sshll.u32 s1, $0x7  }
0x6: {  	s13 =	simm.s32 $0x0;
	s9 =	simm.s32 $0x20000;
	s1 =	ssub.s32 $0x4000, s2  }
0x7: {  	s14 =	simm.s32 $0x0;
	s11 =	simm.s32 $0x0;
	s3 =	sand.u32 $0xF80, s1  }
0x8: {  	s12 =	simm.s32 $0x0;
	s5 =	sshrl.u32 s1, $0xC;
	p0 =	sne.s32 s3, $0x0  }
.Ltmp0:
0x9: {  	s1 =	rddreg [dreg:$0x2];
	s4 =	simm.s32 @!p0 $0x0;
	(pc) =	sbr.rel .LBB1_1-.Ltmp0, $4  }
0xa: {  	s6 =	sadd.s32 $0x3D8800, s7;
	s3 =	rddreg [dreg:$0x1];
	s5 =	sadd.s32 s4, s5  }
0xb: {  	_ =	strace $0x8000004A;
	s4 =	simm.s32 $0x1;
	s5 =	smul.u32 $0xD, s5  }
0xc: {  	s7 =	sadd.s32 $0x418800, s7;
	s10 =	smov.u32 s2;
	[sflag:s4] =	ssyncpa.u1 $0x0  }
0xd: {  	p0 =	por $0x0, $0x0;
	[sflag:s8] =	ssyncpa.u1 $0x0;
	s8 =	sadd.s32 $0x1, s5  }
.LBB1_7:
0xe: {  	s15 =	sadd.s32 $0x1000, s10  }
0xf: {  	s13 =	sadd.s32 $0x2, s11;
	s17 =	smov.u32 s11;
	p2 =	sgt.s32 s15, $0x3FFF  }
0x10: {  	s17 =	smov.u32 @p2 s13  }
0x11: {  	s15 =	smov.u32 @p2 s2;
	p2 =	sgt.s32 s17, $0x19  }
0x12: {  	s17 =	simm.s32 @p2 $0x0;
	p2 =	sne.s32 s12, s8  }
.Ltmp1:
0x13: {  	p1 =	slt.u32 s12, $0x2;
	(pc) =	sbr.rel @!p2 .LBB1_8-.Ltmp1, $4  }
0x14: {  	s16 =	simm.s32 @!p1 $0x2  }
0x15: {  	s14 =	smov.u32 s11;
	p0 =	por !p0, !p0;
	_ =	swait.ge @!p1 [sflag:s16], $0x2000  }
0x16: {  	s13 =	smov.u32 s10;
	[sflag:s16] =	ssyncset.done @!p1 $0x0;
	s10 =	smov.u32 s15  }
0x17: {  	s12 =	sadd.s32 $0x1, s12;
	[sflag:s16] =	ssyncadd.s32 @!p1 $0xFFFFE000;
	s11 =	smov.u32 s17  }
.LBB1_1:
0x18: {  	p1 =	sge.u32 s12, s5  }
0x19: {  	s15 =	sxor.u32 @!p1 $0xFFFFFFFF, s12;
	s16 =	sshll.u32 @!p1 s11, $0x12  }
0x1a: {  	s17 =	sshll.u32 @!p1 s10, $0x4;
	s19 =	simm.s32 @!p1 $0x20;
	s20 =	simm.s32 @!p1 $0x80  }
0x1b: {  	s15 =	sshll.u32 @!p1 s15, $0xD;
	s17 =	sand.u32 @!p1 $0x3FFF0, s17;
	s18 =	sadd.s32 @!p1 s6, s16  }
0x1c: {  	s16 =	sadd.s32 @!p1 s16, s7;
	s15 =	sand.u32 @!p1 $0x2000, s15;
	s18 =	sadd.s32 @!p1 s17, s18  }
0x1d: {  	[tilespmem:s15], [sflag:$0x1] =	stream.strided.gather @!p1 [hbm4b:s18+s19], $0x1000, s20, s19, $0x38;
	[tilespmem:$0x8080] =	vst v63  }
0x1e: {  	s31 =	sadd.s32 $0xFFFFFFFF, s12;
	s16 =	sadd.s32 @!p1 s17, s16;
	s15 =	sor.u32 @!p1 $0x1000, s15  }
0x1f: {  	[tilespmem:s15], [sflag:$0x1] =	stream.strided.gather @!p1 [hbm4b:s16+s19], $0x1000, s20, s19, $0x38;
	[tilespmem:$0x8080] =	vst v63  }
0x20: {  	p1 =	sge.u32 s31, s5  }
.Ltmp2:
0x21: {  	_ = 	snop;
	(pc) =	sbr.rel @p1 .LBB1_7-.Ltmp2, $1  }
0x22: {  	_ =	sdelay $0x3  }
0x23: {  	s15 =	simm.s32 $0x1;
	s17 =	sand.u32 $0x1, s12  }
0x24: {  	_ =	swait.ge [sflag:s4], $0x2000;
	s15 =	simm.s32 @!p0 $0x0;
	s17 =	smul.u32 $0x8100, s17  }
0x25: {  	p2 =	por $0x1, $0x1;
	[sflag:s4] =	ssyncset.done $0x0;
	s16 =	smul.u32 $0x8100, s15  }
0x26: {  	s18 =	sshll.u32 s15, $0xF;
	[sflag:s4] =	ssyncadd.s32 $0xFFFFE000;
	s30 =	sshrl.u32 s17, $0x2  }
0x27: {  	s31 =	sshrl.u32 s18, $0x2;
	s18 =	simm.s32 $0x0;
	s16 =	sshrl.u32 s16, $0x2  }
0x28: {  	s15 =	sor.u32 $0x4000, s30;
	s17 =	sadd.s32 $0x10, s31;
	s16 =	sor.u32 $0x4000, s16  }
.LBB1_3:
0x29: {  	s19 =	sshll.u32 s18, $0xC  }
0x2a: {  	s19 =	sand.u32 $0x3FFFF000, s19  }
0x2b: {  	s20 =	sadd.s32 s19, s17  }
0x2c: {  	s31 =	smul.u32 $0x4080, s18;
	v1 =	vld [tilespmem:s20+$0x0]  }
0x2d: {  	v0 =	vld [tilespmem:s20+$0xFFFFFFF0]  }
0x2e: {  	s18 =	sshra.s32 s31, $0x2  }
0x2f: {  	s18 =	sadd.s32 s18, s16  }
0x30: {  	s21 =	sadd.s32 $0x0, s18  }
0x31: {  	p1 =	por p2, p2;
	s19 =	simm.s32 $0x4;
	s20 =	sadd.s32 $0x20, s20;
	[tilespmem:s21+$0x810 ss:$0x81] =	vst.msk $0xffff, v1  }
.LBB1_4:
0x32: {  	v1 =	vld [tilespmem:s20+$0x0];
	p2 =	sne.s32 s19, $0x1FC;
	[tilespmem:s21+$0x0 ss:$0x81] =	vst.msk $0xffff, v0;
	s21 =	smov.u32 s19;
	s19 =	sadd.s32 $0x4, s19  }
.Ltmp3:
0x33: {  	v0 =	vld [tilespmem:s20+$0xFFFFFFF0];
	(pc) =	sbr.rel @p2 .LBB1_4-.Ltmp3, $4  }
0x34: {  	_ = 	snop  }
0x35: {  	s21 =	sshra.s32 s21, $0x2  }
0x36: {  	s21 =	sadd.s32 s21, s18  }
0x37: {  	s20 =	sadd.s32 $0x20, s20;
	[tilespmem:s21+$0x810 ss:$0x81] =	vst.msk $0xffff, v1  }
.Ltmp4:
0x38: {  	(pc) =	sbr.rel @p1 .LBB1_3-.Ltmp4, $2  }
0x39: {  	_ =	sdelay $0x2  }
0x3a: {  	[tilespmem:s21+$0x0 ss:$0x81] =	vst.msk $0xffff, v0;
	s18 =	simm.s32 $0x1;
	p2 =	por $0x0, $0x0  }
0x3b: {  	s16 =	sshll.u32 s13, $0x3;
	s17 =	sand.u32 $0x78, s13;
	s14 =	sshll.u32 s14, $0x10  }
.Ltmp5:
0x3c: {  	s30 =	sand.u32 $0xF800, s13;
	s16 =	sand.u32 $0x3C00, s16;
	(pc) =	sbr.rel .LBB1_7-.Ltmp5, $4  }
0x3d: {  	s31 =	sand.u32 $0x7, s13;
	s14 =	sadd.s32 s3, s14;
	s16 =	sor.u32 s17, s16  }
0x3e: {  	s13 =	sshll.u32 s31, $0x12;
	s14 =	sadd.s32 s30, s14;
	s16 =	sshrl.u32 s16, $0x3  }
0x3f: {  	s13 =	sor.u32 $0x400, s13;
	s14 =	sadd.s32 s16, s14  }
0x40: {  	[hbm4b:s14+s13] =	stream.strided.scatter [tilespmem:s15], [sflag:$0x2], $0x2000, s9, s13, $0x20;
	[tilespmem:$0x8080] =	vst v63  }
.LBB1_8:
0x41: {  	_ =	sfence.sel $0x180000  }
0x42: {  	s2 =	simm.s32 $0x1;
	[bflag:$0x0] =	sbarrier.arrive $0xFFFF  }
0x43: {  	s31 =	simm.s32 $0x2;
	[sflag:s2] =	ssyncpa.u1 $0x1  }
0x44: {  	[sflag:s31] =	ssyncpa.u1 $0x1  }
0x45: {  	p0 =	sne.s32 s0, $0x0;
	_ =	strace $0x9000004A  }
0x46: {  	s0 =	sadd.s32 @!p0 $0x100000, s1;
	[bflag:$0x2] =	sbarrier.arrive $0xFFFF  }
0x47: {  	[sflag:s0] =	ssyncadd.tile.s32 @!p0 $0x1;
	_ =	shalt  }
.Lfunc_end1:
_tile_overlayer_lowered:
.L_overlay_start_2:
0x48: {  	(tag) =	ssettag $0x2  }
0x49: {  	s0 =	rddreg [dreg:$0x0];
	s2 =	stileid.u32  }
0x4a: {  	s1 =	rddreg [dreg:$0x1];
	p0 =	sne.s32 s2, $0x0  }
0x4b: {  	s3 =	rddreg [dreg:$0x2];
	[bflag:$0x3] =	sbarrier.arrive $0xFFFF;
	s2 =	simm.s32 @!p0 $0x1C01  }
0x4c: {  	[timem:s3], [sflag:s2] =	dma.local @!p0 [hbm:s0], s1  }
0x4d: {  	s0 =	simm.s32 @!p0 $0x1  }
0x4e: {  	_ =	swait.ge @!p0 [sflag:s0], s1  }
0x4f: {  	s1 =	ssub.s32 @!p0 $0x0, s1;
	[sflag:s0] =	ssyncset.done @!p0 $0x0  }
0x50: {  	[sflag:s0] =	ssyncadd.s32 @!p0 s1  }
0x51: {  	[bflag:$0x3] =	sbarrier.arrive $0xFFFF  }
0x52: {  	_ =	shalt  }

</sc_bundles>
